<compile_context>
chip_gen: v7x
topology: tpu7x:2x2x1
jax: 0.10.2.dev20260603
libtpu: 0.0.44.dev20260713+nightly
codegen_flags: <defaults>
</compile_context>

<pallas_src>
import functools

import jax
import jax.numpy as jnp
from jax import lax
from jax.experimental import pallas as pl
from jax.experimental.pallas import tpu as pltpu
from jax.experimental.pallas import tpu_sc as plsc

N = 10000
E = 320000
D = 128
NC = 2
NS = 16
L = 16
K = 125
CH = E // (NC * NS * K)
NP = 10240
RPT = NP // NS

_mesh = plsc.VectorSubcoreMesh(
    core_axis_name="c", subcore_axis_name="s", num_cores=NC, num_subcores=NS)



@functools.partial(
    pl.kernel,
    out_type=jax.ShapeDtypeStruct((NC, NP, L), jnp.float32),
    mesh=_mesh,
    compiler_params=pltpu.CompilerParams(use_tc_tiling_on_sc=False),
    scratch_types=[
        pltpu.VMEM_SHARED((NP, L), jnp.float32),
        pltpu.VMEM((CH, K), jnp.int32),
        pltpu.VMEM((K, L), jnp.float32),
    ],
)
def _sc_deg(wrep, zer16, dstr, out, acc, dst_v, wrep_v):
    c = lax.axis_index("c")
    s = lax.axis_index("s")
    pltpu.sync_copy(zer16.at[pl.ds(s * RPT, RPT)], acc.at[pl.ds(s * RPT, RPT)])
    pltpu.sync_copy(dstr.at[c, s], dst_v)
    plsc.subcore_barrier()

    def chunk(j, carry):
        pltpu.sync_copy(wrep.at[c, s, j], wrep_v)
        pltpu.sync_copy(wrep_v, acc.at[dst_v.at[j]], add=True)
        return carry

    lax.fori_loop(0, CH, chunk, 0)
    plsc.subcore_barrier()
    pltpu.sync_copy(acc.at[pl.ds(s * RPT, RPT)], out.at[c, pl.ds(s * RPT, RPT)])


@functools.partial(
    pl.kernel,
    out_type=jax.ShapeDtypeStruct((NC, NP, D), jnp.float32),
    mesh=_mesh,
    compiler_params=pltpu.CompilerParams(use_tc_tiling_on_sc=False),
    scratch_types=[
        pltpu.VMEM_SHARED((NP, D), jnp.float32),
        pltpu.VMEM((CH, K), jnp.int32),
        pltpu.VMEM((CH, K), jnp.int32),
        pltpu.VMEM((K, L), jnp.float32),
        pltpu.VMEM((K, D), jnp.float32),
        pltpu.SemaphoreType.DMA,
    ],
)
def _sc_agg(hs, zer, srcr, dstr, wrep, out, acc, src_v, dst_v, wrep_v, rows_v,
            sem):
    c = lax.axis_index("c")
    s = lax.axis_index("s")
    @pl.when(c == 0)
    def _():
        pltpu.sync_copy(hs.at[pl.ds(s * RPT, RPT)], acc.at[pl.ds(s * RPT, RPT)])

    @pl.when(c != 0)
    def _():
        pltpu.sync_copy(zer.at[pl.ds(s * RPT, RPT)], acc.at[pl.ds(s * RPT, RPT)])

    pltpu.sync_copy(srcr.at[c, s], src_v)
    pltpu.sync_copy(dstr.at[c, s], dst_v)
    plsc.subcore_barrier()

    def chunk(j, carry):
        pltpu.sync_copy(wrep.at[c, s, j], wrep_v)
        pltpu.async_copy(hs.at[src_v.at[j]], rows_v, sem).wait()

        def edge(e, c2):
            sp = wrep_v[e, :]
            for k in range(D // L):
                rows_v[e, pl.ds(k * L, L)] = rows_v[e, pl.ds(k * L, L)] * sp
            return c2

        lax.fori_loop(0, K, edge, 0)
        pltpu.sync_copy(rows_v, acc.at[dst_v.at[j]], add=True)
        return carry

    lax.fori_loop(0, CH, chunk, 0)
    plsc.subcore_barrier()
    pltpu.sync_copy(acc.at[pl.ds(s * RPT, RPT)], out.at[c, pl.ds(s * RPT, RPT)])



def _tc1_body(degp, x, w1, dinv, hs):
    deg = degp[0, 0:N, 0:1] + degp[1, 0:N, 0:1] + 1.0
    dv = lax.rsqrt(deg)
    dinv[...] = dv
    hs[0:N, :] = dv * jnp.dot(x[...], w1[...], preferred_element_type=jnp.float32)
    hs[N:NP, :] = jnp.zeros((NP - N, D), jnp.float32)


def _tc_mid_body(p, dinv, b, g, be, w, hs):
    dv = dinv[...]
    t = dv * (p[0, 0:N, :] + p[1, 0:N, :]) + b[...][None, :]
    r = jnp.maximum(t, 0.0)
    mu = jnp.mean(r, axis=0, keepdims=True)
    var = jnp.mean(jnp.square(r - mu), axis=0, keepdims=True)
    bn = (r - mu) * lax.rsqrt(var + 1e-5) * g[...][None, :] + be[...][None, :]
    hs[0:N, :] = dv * jnp.dot(bn, w[...], preferred_element_type=jnp.float32)
    hs[N:NP, :] = jnp.zeros((NP - N, D), jnp.float32)


def _tc_final_body(p, dinv, b, out):
    out[...] = dinv[...] * (p[0, 0:N, :] + p[1, 0:N, :]) + b[...][None, :]


_f32 = jnp.float32
_tc1 = pl.pallas_call(
    _tc1_body,
    out_shape=(jax.ShapeDtypeStruct((N, 1), _f32),
               jax.ShapeDtypeStruct((NP, D), _f32)))
_tc_mid = pl.pallas_call(
    _tc_mid_body, out_shape=jax.ShapeDtypeStruct((NP, D), _f32))
_tc_final = pl.pallas_call(
    _tc_final_body, out_shape=jax.ShapeDtypeStruct((N, D), _f32))



def kernel(x, edge_index, edge_weight, W1, b1, g1, be1, W2, b2, g2, be2, W3,
           b3):
    src = edge_index[0].reshape(NC, NS, CH, K)
    dst = edge_index[1].reshape(NC, NS, CH, K)
    wrep = jnp.broadcast_to(edge_weight[:, None], (E, L)).reshape(
        NC, NS, CH, K, L)
    zeros = jnp.zeros((NP, D), _f32)
    zeros16 = jnp.zeros((NP, L), _f32)

    degp = _sc_deg(wrep, zeros16, dst)
    dinv, hs = _tc1(degp, x, W1)
    p = _sc_agg(hs, zeros, src, dst, wrep)
    hs = _tc_mid(p, dinv, b1, g1, be1, W2)
    p = _sc_agg(hs, zeros, src, dst, wrep)
    hs = _tc_mid(p, dinv, b2, g2, be2, W3)
    p = _sc_agg(hs, zeros, src, dst, wrep)
    return _tc_final(p, dinv, b3)

# --- scband reference (transcript-rebuilt; emitter-appended) ---
"""Pipeline reference for scband-gnnmodel-39298950758659 (READ-ONLY COPY).

The authoritative reference and input builder live on the scoring server;
editing this copy changes nothing except your own understanding.
"""

import jax, jax.numpy as jnp
import numpy as np

N = 10000
E = 320000
D = 128


def setup_inputs(seed: int = 0) -> dict:
    key = jax.random.key(seed)
    ks = jax.random.split(key, 12)
    inp = {}
    inp["x"] = jax.random.normal(ks[0], (N, D), dtype=jnp.float32)
    inp["edge_index"] = jax.random.randint(ks[1], (2, E), 0, N, dtype=jnp.int32)
    inp["edge_weight"] = jax.random.uniform(ks[2], (E,), dtype=jnp.float32)
    s = 1.0 / np.sqrt(D)
    inp["W1"] = jax.random.normal(ks[3], (D, D), dtype=jnp.float32) * s
    inp["b1"] = jnp.zeros((D,), dtype=jnp.float32)
    inp["g1"] = jnp.ones((D,), dtype=jnp.float32)
    inp["be1"] = jnp.zeros((D,), dtype=jnp.float32)
    inp["W2"] = jax.random.normal(ks[4], (D, D), dtype=jnp.float32) * s
    inp["b2"] = jnp.zeros((D,), dtype=jnp.float32)
    inp["g2"] = jnp.ones((D,), dtype=jnp.float32)
    inp["be2"] = jnp.zeros((D,), dtype=jnp.float32)
    inp["W3"] = jax.random.normal(ks[5], (D, D), dtype=jnp.float32) * s
    inp["b3"] = jnp.zeros((D,), dtype=jnp.float32)
    return inp


def _gcn_layer(h, W, b, src, dst, w, n):
    # GCNConv: linear transform, symmetric gcn_norm with edge weights
    # (self-loops already appended to src/dst/w), scatter-add aggregation at dst.
    h = h @ W
    deg = jnp.zeros((n,), h.dtype).at[dst].add(w)
    dinv = jnp.where(deg > 0, jax.lax.rsqrt(deg), 0.0)
    norm = dinv[src] * w * dinv[dst]
    msg = h[src] * norm[:, None]
    out = jax.ops.segment_sum(msg, dst, num_segments=n)
    return out + b


def _bn(h, g, be):
    # BatchNorm1d, training-mode batch statistics (biased variance), eps=1e-5
    mu = jnp.mean(h, axis=0)
    var = jnp.var(h, axis=0)
    return (h - mu) / jnp.sqrt(var + 1e-5) * g + be


def reference(x, edge_index, edge_weight, W1, b1, g1, be1, W2, b2, g2, be2, W3, b3):
    n = x.shape[0]
    src = edge_index[0]
    dst = edge_index[1]
    loop = jnp.arange(n, dtype=src.dtype)
    src2 = jnp.concatenate([src, loop])
    dst2 = jnp.concatenate([dst, loop])
    w2 = jnp.concatenate([edge_weight, jnp.ones((n,), edge_weight.dtype)])
    # layer 1: GCNConv -> ReLU -> Dropout(identity in eval) -> BatchNorm1d
    h = _gcn_layer(x, W1, b1, src2, dst2, w2, n)
    h = jax.nn.relu(h)
    h = _bn(h, g1, be1)
    # layer 2
    h = _gcn_layer(h, W2, b2, src2, dst2, w2, n)
    h = jax.nn.relu(h)
    h = _bn(h, g2, be2)
    # output layer
    h = _gcn_layer(h, W3, b3, src2, dst2, w2, n)
    return h

if __name__ == "__main__":
    import jax
    _d = setup_inputs()
    print(jax.jit(kernel)(*tuple(_d.values())))

</pallas_src>

<mosaic_0001>
#map = affine_map<(d0, d1) -> (0, 0)>
#map1 = affine_map<(d0, d1) -> (0, 0, 0, 0)>
#map2 = affine_map<(d0, d1) -> (0, 0, 0, 0, 0)>
#map3 = affine_map<(d0, d1) -> (0, 0, 0)>
module attributes {stable_mosaic.version = 14 : i64} {
  func.func @_sc_agg(%arg0: i32, %arg1: i32, %arg2: memref<10240x128xf32, #tpu.memory_space<hbm>>, %arg3: memref<10240x128xf32, #tpu.memory_space<hbm>>, %arg4: memref<2x16x80x125xi32, #tpu.memory_space<hbm>>, %arg5: memref<2x16x80x125xi32, #tpu.memory_space<hbm>>, %arg6: memref<2x16x80x125x16xf32, #tpu.memory_space<hbm>>, %arg7: memref<2x10240x128xf32, #tpu.memory_space<hbm>>, %arg8: memref<10240x128xf32, #tpu.memory_space<vmem_shared>>, %arg9: memref<80x125xi32, #tpu.memory_space<vmem>>, %arg10: memref<80x125xi32, #tpu.memory_space<vmem>>, %arg11: memref<125x16xf32, #tpu.memory_space<vmem>>, %arg12: memref<125x128xf32, #tpu.memory_space<vmem>>, %arg13: memref<!tpu.dma_semaphore, #tpu.memory_space<semaphore_mem>>) attributes {dimension_semantics = [#tpu.dimension_semantics<core_parallel>, #tpu.dimension_semantics<subcore_parallel>], iteration_bounds = array<i64: 2, 16>, scalar_prefetch = 0 : i64, scratch_operands = 6 : i64, tpu.core_type = #tpu.core_type<sc_vector_subcore>, window_params = [{transform_indices = #map}, {transform_indices = #map}, {transform_indices = #map1}, {transform_indices = #map1}, {transform_indices = #map2}, {transform_indices = #map3}]} {
    %eq3A = arith.constant 0 : i32
    %eq3A_0 = arith.cmpi eq, %arg0, %eq3A : i32
    %convert_element_type3A = arith.extui %eq3A_0 : i1 to i32
    %cond3A = arith.constant 0 : i32
    %cond3A_1 = arith.cmpi ne, %convert_element_type3A, %cond3A : i32
    scf.if %cond3A_1 {
      %mul3A_15 = arith.constant 640 : i32
      %mul3A_16 = arith.muli %arg1, %mul3A_15 : i32
      %mul3A_17 = arith.constant 640 : i32
      %mul3A_18 = arith.muli %arg1, %mul3A_17 : i32
      "tpu.region"() ({
        %run_scoped3A = tpu.sem_alloc : memref<!tpu.dma_semaphore, #tpu.memory_space<semaphore_mem>>
        %dma_start3A = arith.constant 0 : i32
        %dma_start3A_19 = tpu.memref_slice %arg8[%mul3A_18, %dma_start3A] : memref<10240x128xf32, #tpu.memory_space<vmem_shared>> -> memref<640x128xf32, #tpu.memory_space<vmem_shared>>
        %dma_start3A_20 = arith.constant 0 : i32
        %dma_start3A_21 = tpu.memref_slice %arg2[%mul3A_16, %dma_start3A_20] : memref<10240x128xf32, #tpu.memory_space<hbm>> -> memref<640x128xf32, #tpu.memory_space<hbm>>
        tpu.enqueue_dma source(%dma_start3A_21 : memref<640x128xf32, #tpu.memory_space<hbm>>) target(%dma_start3A_19 : memref<640x128xf32, #tpu.memory_space<vmem_shared>>) target_semaphore(%run_scoped3A : memref<!tpu.dma_semaphore, #tpu.memory_space<semaphore_mem>>)
        %dma_wait3A = arith.constant 0 : i32
        %dma_wait3A_22 = tpu.memref_slice %arg8[%mul3A_18, %dma_wait3A] : memref<10240x128xf32, #tpu.memory_space<vmem_shared>> -> memref<640x128xf32, #tpu.memory_space<vmem_shared>>
        %dma_wait3A_23 = arith.constant 0 : i32
        %dma_wait3A_24 = tpu.memref_slice %arg2[%mul3A_16, %dma_wait3A_23] : memref<10240x128xf32, #tpu.memory_space<hbm>> -> memref<640x128xf32, #tpu.memory_space<hbm>>
        tpu.wait_dma2 semaphore(%run_scoped3A : memref<!tpu.dma_semaphore, #tpu.memory_space<semaphore_mem>>) src(%dma_wait3A_24 : memref<640x128xf32, #tpu.memory_space<hbm>>) dst(%dma_wait3A_22 : memref<640x128xf32, #tpu.memory_space<vmem_shared>>)
        tpu.yield
      }) : () -> ()
    } else {
    }
    %ne3A = arith.constant 0 : i32
    %ne3A_2 = arith.cmpi ne, %arg0, %ne3A : i32
    %convert_element_type3A_3 = arith.extui %ne3A_2 : i1 to i32
    %cond3A_4 = arith.constant 0 : i32
    %cond3A_5 = arith.cmpi ne, %convert_element_type3A_3, %cond3A_4 : i32
    scf.if %cond3A_5 {
      %mul3A_15 = arith.constant 640 : i32
      %mul3A_16 = arith.muli %arg1, %mul3A_15 : i32
      %mul3A_17 = arith.constant 640 : i32
      %mul3A_18 = arith.muli %arg1, %mul3A_17 : i32
      "tpu.region"() ({
        %run_scoped3A = tpu.sem_alloc : memref<!tpu.dma_semaphore, #tpu.memory_space<semaphore_mem>>
        %dma_start3A = arith.constant 0 : i32
        %dma_start3A_19 = tpu.memref_slice %arg8[%mul3A_18, %dma_start3A] : memref<10240x128xf32, #tpu.memory_space<vmem_shared>> -> memref<640x128xf32, #tpu.memory_space<vmem_shared>>
        %dma_start3A_20 = arith.constant 0 : i32
        %dma_start3A_21 = tpu.memref_slice %arg3[%mul3A_16, %dma_start3A_20] : memref<10240x128xf32, #tpu.memory_space<hbm>> -> memref<640x128xf32, #tpu.memory_space<hbm>>
        tpu.enqueue_dma source(%dma_start3A_21 : memref<640x128xf32, #tpu.memory_space<hbm>>) target(%dma_start3A_19 : memref<640x128xf32, #tpu.memory_space<vmem_shared>>) target_semaphore(%run_scoped3A : memref<!tpu.dma_semaphore, #tpu.memory_space<semaphore_mem>>)
        %dma_wait3A = arith.constant 0 : i32
        %dma_wait3A_22 = tpu.memref_slice %arg8[%mul3A_18, %dma_wait3A] : memref<10240x128xf32, #tpu.memory_space<vmem_shared>> -> memref<640x128xf32, #tpu.memory_space<vmem_shared>>
        %dma_wait3A_23 = arith.constant 0 : i32
        %dma_wait3A_24 = tpu.memref_slice %arg3[%mul3A_16, %dma_wait3A_23] : memref<10240x128xf32, #tpu.memory_space<hbm>> -> memref<640x128xf32, #tpu.memory_space<hbm>>
        tpu.wait_dma2 semaphore(%run_scoped3A : memref<!tpu.dma_semaphore, #tpu.memory_space<semaphore_mem>>) src(%dma_wait3A_24 : memref<640x128xf32, #tpu.memory_space<hbm>>) dst(%dma_wait3A_22 : memref<640x128xf32, #tpu.memory_space<vmem_shared>>)
        tpu.yield
      }) : () -> ()
    } else {
    }
    "tpu.region"() ({
      %run_scoped3A = tpu.sem_alloc : memref<!tpu.dma_semaphore, #tpu.memory_space<semaphore_mem>>
      %dma_start3A = arith.constant 0 : i32
      %dma_start3A_15 = arith.constant 0 : i32
      %dma_start3A_16 = tpu.memref_slice %arg4[%arg0, %arg1, %dma_start3A, %dma_start3A_15] : memref<2x16x80x125xi32, #tpu.memory_space<hbm>> -> memref<1x1x80x125xi32, #tpu.memory_space<hbm>>
      %dma_start3A_17 = tpu.memref_squeeze %dma_start3A_16 : memref<1x1x80x125xi32, #tpu.memory_space<hbm>> -> memref<80x125xi32, #tpu.memory_space<hbm>>
      %dma_start3A_18 = arith.constant 0 : i32
      %dma_start3A_19 = arith.constant 0 : i32
      %dma_start3A_20 = tpu.memref_slice %arg4[%arg0, %arg1, %dma_start3A_18, %dma_start3A_19] : memref<2x16x80x125xi32, #tpu.memory_space<hbm>> -> memref<1x1x80x125xi32, #tpu.memory_space<hbm>>
      %dma_start3A_21 = tpu.memref_squeeze %dma_start3A_20 : memref<1x1x80x125xi32, #tpu.memory_space<hbm>> -> memref<80x125xi32, #tpu.memory_space<hbm>>
      tpu.enqueue_dma source(%dma_start3A_21 : memref<80x125xi32, #tpu.memory_space<hbm>>) target(%arg9 : memref<80x125xi32, #tpu.memory_space<vmem>>) target_semaphore(%run_scoped3A : memref<!tpu.dma_semaphore, #tpu.memory_space<semaphore_mem>>)
      %dma_wait3A = arith.constant 0 : i32
      %dma_wait3A_22 = arith.constant 0 : i32
      %dma_wait3A_23 = tpu.memref_slice %arg4[%arg0, %arg1, %dma_wait3A, %dma_wait3A_22] : memref<2x16x80x125xi32, #tpu.memory_space<hbm>> -> memref<1x1x80x125xi32, #tpu.memory_space<hbm>>
      %dma_wait3A_24 = tpu.memref_squeeze %dma_wait3A_23 : memref<1x1x80x125xi32, #tpu.memory_space<hbm>> -> memref<80x125xi32, #tpu.memory_space<hbm>>
      %dma_wait3A_25 = arith.constant 0 : i32
      %dma_wait3A_26 = arith.constant 0 : i32
      %dma_wait3A_27 = tpu.memref_slice %arg4[%arg0, %arg1, %dma_wait3A_25, %dma_wait3A_26] : memref<2x16x80x125xi32, #tpu.memory_space<hbm>> -> memref<1x1x80x125xi32, #tpu.memory_space<hbm>>
      %dma_wait3A_28 = tpu.memref_squeeze %dma_wait3A_27 : memref<1x1x80x125xi32, #tpu.memory_space<hbm>> -> memref<80x125xi32, #tpu.memory_space<hbm>>
      tpu.wait_dma2 semaphore(%run_scoped3A : memref<!tpu.dma_semaphore, #tpu.memory_space<semaphore_mem>>) src(%dma_wait3A_28 : memref<80x125xi32, #tpu.memory_space<hbm>>) dst(%arg9 : memref<80x125xi32, #tpu.memory_space<vmem>>)
      tpu.yield
    }) : () -> ()
    "tpu.region"() ({
      %run_scoped3A = tpu.sem_alloc : memref<!tpu.dma_semaphore, #tpu.memory_space<semaphore_mem>>
      %dma_start3A = arith.constant 0 : i32
      %dma_start3A_15 = arith.constant 0 : i32
      %dma_start3A_16 = tpu.memref_slice %arg5[%arg0, %arg1, %dma_start3A, %dma_start3A_15] : memref<2x16x80x125xi32, #tpu.memory_space<hbm>> -> memref<1x1x80x125xi32, #tpu.memory_space<hbm>>
      %dma_start3A_17 = tpu.memref_squeeze %dma_start3A_16 : memref<1x1x80x125xi32, #tpu.memory_space<hbm>> -> memref<80x125xi32, #tpu.memory_space<hbm>>
      %dma_start3A_18 = arith.constant 0 : i32
      %dma_start3A_19 = arith.constant 0 : i32
      %dma_start3A_20 = tpu.memref_slice %arg5[%arg0, %arg1, %dma_start3A_18, %dma_start3A_19] : memref<2x16x80x125xi32, #tpu.memory_space<hbm>> -> memref<1x1x80x125xi32, #tpu.memory_space<hbm>>
      %dma_start3A_21 = tpu.memref_squeeze %dma_start3A_20 : memref<1x1x80x125xi32, #tpu.memory_space<hbm>> -> memref<80x125xi32, #tpu.memory_space<hbm>>
      tpu.enqueue_dma source(%dma_start3A_21 : memref<80x125xi32, #tpu.memory_space<hbm>>) target(%arg10 : memref<80x125xi32, #tpu.memory_space<vmem>>) target_semaphore(%run_scoped3A : memref<!tpu.dma_semaphore, #tpu.memory_space<semaphore_mem>>)
      %dma_wait3A = arith.constant 0 : i32
      %dma_wait3A_22 = arith.constant 0 : i32
      %dma_wait3A_23 = tpu.memref_slice %arg5[%arg0, %arg1, %dma_wait3A, %dma_wait3A_22] : memref<2x16x80x125xi32, #tpu.memory_space<hbm>> -> memref<1x1x80x125xi32, #tpu.memory_space<hbm>>
      %dma_wait3A_24 = tpu.memref_squeeze %dma_wait3A_23 : memref<1x1x80x125xi32, #tpu.memory_space<hbm>> -> memref<80x125xi32, #tpu.memory_space<hbm>>
      %dma_wait3A_25 = arith.constant 0 : i32
      %dma_wait3A_26 = arith.constant 0 : i32
      %dma_wait3A_27 = tpu.memref_slice %arg5[%arg0, %arg1, %dma_wait3A_25, %dma_wait3A_26] : memref<2x16x80x125xi32, #tpu.memory_space<hbm>> -> memref<1x1x80x125xi32, #tpu.memory_space<hbm>>
      %dma_wait3A_28 = tpu.memref_squeeze %dma_wait3A_27 : memref<1x1x80x125xi32, #tpu.memory_space<hbm>> -> memref<80x125xi32, #tpu.memory_space<hbm>>
      tpu.wait_dma2 semaphore(%run_scoped3A : memref<!tpu.dma_semaphore, #tpu.memory_space<semaphore_mem>>) src(%dma_wait3A_28 : memref<80x125xi32, #tpu.memory_space<hbm>>) dst(%arg10 : memref<80x125xi32, #tpu.memory_space<vmem>>)
      tpu.yield
    }) : () -> ()
    %barrier3A = arith.constant 0 : index
    tpu.barrier barrier_id(%barrier3A)
    %scan3A = arith.constant 0 : i32
    %scan3A_6 = arith.constant 0 : i32
    %scan3A_7 = arith.constant 80 : i32
    %scan3A_8 = arith.addi %scan3A_6, %scan3A_7 : i32
    %scan3A_9 = arith.constant 1 : i32
    scf.for %scan3A_15 = %scan3A_6 to %scan3A_8 step %scan3A_9  : i32 {
      "tpu.region"() ({
        %run_scoped3A = tpu.sem_alloc : memref<!tpu.dma_semaphore, #tpu.memory_space<semaphore_mem>>
        %dma_start3A_32 = arith.constant 0 : i32
        %dma_start3A_33 = arith.constant 0 : i32
        %dma_start3A_34 = tpu.memref_slice %arg6[%arg0, %arg1, %scan3A_15, %dma_start3A_32, %dma_start3A_33] : memref<2x16x80x125x16xf32, #tpu.memory_space<hbm>> -> memref<1x1x1x125x16xf32, #tpu.memory_space<hbm>>
        %dma_start3A_35 = tpu.memref_squeeze %dma_start3A_34 : memref<1x1x1x125x16xf32, #tpu.memory_space<hbm>> -> memref<125x16xf32, #tpu.memory_space<hbm>>
        %dma_start3A_36 = arith.constant 0 : i32
        %dma_start3A_37 = arith.constant 0 : i32
        %dma_start3A_38 = tpu.memref_slice %arg6[%arg0, %arg1, %scan3A_15, %dma_start3A_36, %dma_start3A_37] : memref<2x16x80x125x16xf32, #tpu.memory_space<hbm>> -> memref<1x1x1x125x16xf32, #tpu.memory_space<hbm>>
        %dma_start3A_39 = tpu.memref_squeeze %dma_start3A_38 : memref<1x1x1x125x16xf32, #tpu.memory_space<hbm>> -> memref<125x16xf32, #tpu.memory_space<hbm>>
        tpu.enqueue_dma source(%dma_start3A_39 : memref<125x16xf32, #tpu.memory_space<hbm>>) target(%arg11 : memref<125x16xf32, #tpu.memory_space<vmem>>) target_semaphore(%run_scoped3A : memref<!tpu.dma_semaphore, #tpu.memory_space<semaphore_mem>>)
        %dma_wait3A_40 = arith.constant 0 : i32
        %dma_wait3A_41 = arith.constant 0 : i32
        %dma_wait3A_42 = tpu.memref_slice %arg6[%arg0, %arg1, %scan3A_15, %dma_wait3A_40, %dma_wait3A_41] : memref<2x16x80x125x16xf32, #tpu.memory_space<hbm>> -> memref<1x1x1x125x16xf32, #tpu.memory_space<hbm>>
        %dma_wait3A_43 = tpu.memref_squeeze %dma_wait3A_42 : memref<1x1x1x125x16xf32, #tpu.memory_space<hbm>> -> memref<125x16xf32, #tpu.memory_space<hbm>>
        %dma_wait3A_44 = arith.constant 0 : i32
        %dma_wait3A_45 = arith.constant 0 : i32
        %dma_wait3A_46 = tpu.memref_slice %arg6[%arg0, %arg1, %scan3A_15, %dma_wait3A_44, %dma_wait3A_45] : memref<2x16x80x125x16xf32, #tpu.memory_space<hbm>> -> memref<1x1x1x125x16xf32, #tpu.memory_space<hbm>>
        %dma_wait3A_47 = tpu.memref_squeeze %dma_wait3A_46 : memref<1x1x1x125x16xf32, #tpu.memory_space<hbm>> -> memref<125x16xf32, #tpu.memory_space<hbm>>
        tpu.wait_dma2 semaphore(%run_scoped3A : memref<!tpu.dma_semaphore, #tpu.memory_space<semaphore_mem>>) src(%dma_wait3A_47 : memref<125x16xf32, #tpu.memory_space<hbm>>) dst(%arg11 : memref<125x16xf32, #tpu.memory_space<vmem>>)
        tpu.yield
      }) : () -> ()
      %dma_start3A = arith.constant 0 : i32
      %dma_start3A_16 = tpu.memref_slice %arg9[%scan3A_15, %dma_start3A] : memref<80x125xi32, #tpu.memory_space<vmem>> -> memref<1x125xi32, #tpu.memory_space<vmem>>
      %dma_start3A_17 = tpu.memref_squeeze %dma_start3A_16 : memref<1x125xi32, #tpu.memory_space<vmem>> -> memref<125xi32, #tpu.memory_space<vmem>>
      %dma_start3A_18 = arith.constant 0 : i32
      %dma_start3A_19 = arith.constant 0 : i32
      %dma_start3A_20 = tpu.memref_slice %arg2[%dma_start3A_18, %dma_start3A_19] : memref<10240x128xf32, #tpu.memory_space<hbm>> -> memref<10240x128xf32, #tpu.memory_space<hbm>>
      tpu.enqueue_indirect_dma source(%dma_start3A_20 : memref<10240x128xf32, #tpu.memory_space<hbm>>) target(%arg12 : memref<125x128xf32, #tpu.memory_space<vmem>>) offsets(%dma_start3A_17 : memref<125xi32, #tpu.memory_space<vmem>>) semaphore(%arg13 : memref<!tpu.dma_semaphore, #tpu.memory_space<semaphore_mem>>)
      %dma_wait3A = arith.constant 0 : i32
      %dma_wait3A_21 = tpu.memref_slice %arg9[%scan3A_15, %dma_wait3A] : memref<80x125xi32, #tpu.memory_space<vmem>> -> memref<1x125xi32, #tpu.memory_space<vmem>>
      %dma_wait3A_22 = tpu.memref_squeeze %dma_wait3A_21 : memref<1x125xi32, #tpu.memory_space<vmem>> -> memref<125xi32, #tpu.memory_space<vmem>>
      %dma_wait3A_23 = arith.constant 0 : i32
      %dma_wait3A_24 = arith.constant 0 : i32
      %dma_wait3A_25 = tpu.memref_slice %arg2[%dma_wait3A_23, %dma_wait3A_24] : memref<10240x128xf32, #tpu.memory_space<hbm>> -> memref<10240x128xf32, #tpu.memory_space<hbm>>
      tpu.wait_indirect_dma semaphore(%arg13 : memref<!tpu.dma_semaphore, #tpu.memory_space<semaphore_mem>>) src(%dma_wait3A_25 : memref<10240x128xf32, #tpu.memory_space<hbm>>) dst(%arg12 : memref<125x128xf32, #tpu.memory_space<vmem>>)
      %scan3A_26 = arith.constant 0 : i32
      %scan3A_27 = arith.constant 0 : i32
      %scan3A_28 = arith.constant 125 : i32
      %scan3A_29 = arith.addi %scan3A_27, %scan3A_28 : i32
      %scan3A_30 = arith.constant 1 : i32
      scf.for %scan3A_32 = %scan3A_27 to %scan3A_29 step %scan3A_30  : i32 {
        %get3A = arith.index_cast %scan3A_32 : i32 to index
        %get3A_33 = arith.constant 0 : index
        %get3A_34 = tpu.vector_load %arg11[%get3A, %get3A_33] {strides = array<i32>} : memref<125x16xf32, #tpu.memory_space<vmem>>, vector<1x16xf32>,
        %get3A_35 = vector.shape_cast %get3A_34 : vector<1x16xf32> to vector<16xf32>
        %get3A_36 = arith.index_cast %scan3A_32 : i32 to index
        %get3A_37 = arith.constant 0 : index
        %get3A_38 = tpu.vector_load %arg12[%get3A_36, %get3A_37] {strides = array<i32>} : memref<125x128xf32, #tpu.memory_space<vmem>>, vector<1x16xf32>,
        %get3A_39 = vector.shape_cast %get3A_38 : vector<1x16xf32> to vector<16xf32>
        %mul3A_40 = arith.mulf %get3A_39, %get3A_35 : vector<16xf32>
        %swap3A = arith.index_cast %scan3A_32 : i32 to index
        %swap3A_41 = arith.constant 0 : index
        %swap3A_42 = tpu.vector_load %arg12[%swap3A, %swap3A_41] {strides = array<i32>} : memref<125x128xf32, #tpu.memory_space<vmem>>, vector<1x16xf32>,
        %swap3A_43 = vector.shape_cast %swap3A_42 : vector<1x16xf32> to vector<16xf32>
        %swap3A_44 = vector.shape_cast %mul3A_40 : vector<16xf32> to vector<1x16xf32>
        tpu.vector_store %arg12[%swap3A, %swap3A_41], %swap3A_44 {strides = array<i32>} : memref<125x128xf32, #tpu.memory_space<vmem>>, vector<1x16xf32>,
        %get3A_45 = arith.index_cast %scan3A_32 : i32 to index
        %get3A_46 = arith.constant 16 : index
        %get3A_47 = tpu.vector_load %arg12[%get3A_45, %get3A_46] {strides = array<i32>} : memref<125x128xf32, #tpu.memory_space<vmem>>, vector<1x16xf32>,
        %get3A_48 = vector.shape_cast %get3A_47 : vector<1x16xf32> to vector<16xf32>
        %mul3A_49 = arith.mulf %get3A_48, %get3A_35 : vector<16xf32>
        %swap3A_50 = arith.index_cast %scan3A_32 : i32 to index
        %swap3A_51 = arith.constant 16 : index
        %swap3A_52 = tpu.vector_load %arg12[%swap3A_50, %swap3A_51] {strides = array<i32>} : memref<125x128xf32, #tpu.memory_space<vmem>>, vector<1x16xf32>,
        %swap3A_53 = vector.shape_cast %swap3A_52 : vector<1x16xf32> to vector<16xf32>
        %swap3A_54 = vector.shape_cast %mul3A_49 : vector<16xf32> to vector<1x16xf32>
        tpu.vector_store %arg12[%swap3A_50, %swap3A_51], %swap3A_54 {strides = array<i32>} : memref<125x128xf32, #tpu.memory_space<vmem>>, vector<1x16xf32>,
        %get3A_55 = arith.index_cast %scan3A_32 : i32 to index
        %get3A_56 = arith.constant 32 : index
        %get3A_57 = tpu.vector_load %arg12[%get3A_55, %get3A_56] {strides = array<i32>} : memref<125x128xf32, #tpu.memory_space<vmem>>, vector<1x16xf32>,
        %get3A_58 = vector.shape_cast %get3A_57 : vector<1x16xf32> to vector<16xf32>
        %mul3A_59 = arith.mulf %get3A_58, %get3A_35 : vector<16xf32>
        %swap3A_60 = arith.index_cast %scan3A_32 : i32 to index
        %swap3A_61 = arith.constant 32 : index
        %swap3A_62 = tpu.vector_load %arg12[%swap3A_60, %swap3A_61] {strides = array<i32>} : memref<125x128xf32, #tpu.memory_space<vmem>>, vector<1x16xf32>,
        %swap3A_63 = vector.shape_cast %swap3A_62 : vector<1x16xf32> to vector<16xf32>
        %swap3A_64 = vector.shape_cast %mul3A_59 : vector<16xf32> to vector<1x16xf32>
        tpu.vector_store %arg12[%swap3A_60, %swap3A_61], %swap3A_64 {strides = array<i32>} : memref<125x128xf32, #tpu.memory_space<vmem>>, vector<1x16xf32>,
        %get3A_65 = arith.index_cast %scan3A_32 : i32 to index
        %get3A_66 = arith.constant 48 : index
        %get3A_67 = tpu.vector_load %arg12[%get3A_65, %get3A_66] {strides = array<i32>} : memref<125x128xf32, #tpu.memory_space<vmem>>, vector<1x16xf32>,
        %get3A_68 = vector.shape_cast %get3A_67 : vector<1x16xf32> to vector<16xf32>
        %mul3A_69 = arith.mulf %get3A_68, %get3A_35 : vector<16xf32>
        %swap3A_70 = arith.index_cast %scan3A_32 : i32 to index
        %swap3A_71 = arith.constant 48 : index
        %swap3A_72 = tpu.vector_load %arg12[%swap3A_70, %swap3A_71] {strides = array<i32>} : memref<125x128xf32, #tpu.memory_space<vmem>>, vector<1x16xf32>,
        %swap3A_73 = vector.shape_cast %swap3A_72 : vector<1x16xf32> to vector<16xf32>
        %swap3A_74 = vector.shape_cast %mul3A_69 : vector<16xf32> to vector<1x16xf32>
        tpu.vector_store %arg12[%swap3A_70, %swap3A_71], %swap3A_74 {strides = array<i32>} : memref<125x128xf32, #tpu.memory_space<vmem>>, vector<1x16xf32>,
        %get3A_75 = arith.index_cast %scan3A_32 : i32 to index
        %get3A_76 = arith.constant 64 : index
        %get3A_77 = tpu.vector_load %arg12[%get3A_75, %get3A_76] {strides = array<i32>} : memref<125x128xf32, #tpu.memory_space<vmem>>, vector<1x16xf32>,
        %get3A_78 = vector.shape_cast %get3A_77 : vector<1x16xf32> to vector<16xf32>
        %mul3A_79 = arith.mulf %get3A_78, %get3A_35 : vector<16xf32>
        %swap3A_80 = arith.index_cast %scan3A_32 : i32 to index
        %swap3A_81 = arith.constant 64 : index
        %swap3A_82 = tpu.vector_load %arg12[%swap3A_80, %swap3A_81] {strides = array<i32>} : memref<125x128xf32, #tpu.memory_space<vmem>>, vector<1x16xf32>,
        %swap3A_83 = vector.shape_cast %swap3A_82 : vector<1x16xf32> to vector<16xf32>
        %swap3A_84 = vector.shape_cast %mul3A_79 : vector<16xf32> to vector<1x16xf32>
        tpu.vector_store %arg12[%swap3A_80, %swap3A_81], %swap3A_84 {strides = array<i32>} : memref<125x128xf32, #tpu.memory_space<vmem>>, vector<1x16xf32>,
        %get3A_85 = arith.index_cast %scan3A_32 : i32 to index
        %get3A_86 = arith.constant 80 : index
        %get3A_87 = tpu.vector_load %arg12[%get3A_85, %get3A_86] {strides = array<i32>} : memref<125x128xf32, #tpu.memory_space<vmem>>, vector<1x16xf32>,
        %get3A_88 = vector.shape_cast %get3A_87 : vector<1x16xf32> to vector<16xf32>
        %mul3A_89 = arith.mulf %get3A_88, %get3A_35 : vector<16xf32>
        %swap3A_90 = arith.index_cast %scan3A_32 : i32 to index
        %swap3A_91 = arith.constant 80 : index
        %swap3A_92 = tpu.vector_load %arg12[%swap3A_90, %swap3A_91] {strides = array<i32>} : memref<125x128xf32, #tpu.memory_space<vmem>>, vector<1x16xf32>,
        %swap3A_93 = vector.shape_cast %swap3A_92 : vector<1x16xf32> to vector<16xf32>
        %swap3A_94 = vector.shape_cast %mul3A_89 : vector<16xf32> to vector<1x16xf32>
        tpu.vector_store %arg12[%swap3A_90, %swap3A_91], %swap3A_94 {strides = array<i32>} : memref<125x128xf32, #tpu.memory_space<vmem>>, vector<1x16xf32>,
        %get3A_95 = arith.index_cast %scan3A_32 : i32 to index
        %get3A_96 = arith.constant 96 : index
        %get3A_97 = tpu.vector_load %arg12[%get3A_95, %get3A_96] {strides = array<i32>} : memref<125x128xf32, #tpu.memory_space<vmem>>, vector<1x16xf32>,
        %get3A_98 = vector.shape_cast %get3A_97 : vector<1x16xf32> to vector<16xf32>
        %mul3A_99 = arith.mulf %get3A_98, %get3A_35 : vector<16xf32>
        %swap3A_100 = arith.index_cast %scan3A_32 : i32 to index
        %swap3A_101 = arith.constant 96 : index
        %swap3A_102 = tpu.vector_load %arg12[%swap3A_100, %swap3A_101] {strides = array<i32>} : memref<125x128xf32, #tpu.memory_space<vmem>>, vector<1x16xf32>,
        %swap3A_103 = vector.shape_cast %swap3A_102 : vector<1x16xf32> to vector<16xf32>
        %swap3A_104 = vector.shape_cast %mul3A_99 : vector<16xf32> to vector<1x16xf32>
        tpu.vector_store %arg12[%swap3A_100, %swap3A_101], %swap3A_104 {strides = array<i32>} : memref<125x128xf32, #tpu.memory_space<vmem>>, vector<1x16xf32>,
        %get3A_105 = arith.index_cast %scan3A_32 : i32 to index
        %get3A_106 = arith.constant 112 : index
        %get3A_107 = tpu.vector_load %arg12[%get3A_105, %get3A_106] {strides = array<i32>} : memref<125x128xf32, #tpu.memory_space<vmem>>, vector<1x16xf32>,
        %get3A_108 = vector.shape_cast %get3A_107 : vector<1x16xf32> to vector<16xf32>
        %mul3A_109 = arith.mulf %get3A_108, %get3A_35 : vector<16xf32>
        %swap3A_110 = arith.index_cast %scan3A_32 : i32 to index
        %swap3A_111 = arith.constant 112 : index
        %swap3A_112 = tpu.vector_load %arg12[%swap3A_110, %swap3A_111] {strides = array<i32>} : memref<125x128xf32, #tpu.memory_space<vmem>>, vector<1x16xf32>,
        %swap3A_113 = vector.shape_cast %swap3A_112 : vector<1x16xf32> to vector<16xf32>
        %swap3A_114 = vector.shape_cast %mul3A_109 : vector<16xf32> to vector<1x16xf32>
        tpu.vector_store %arg12[%swap3A_110, %swap3A_111], %swap3A_114 {strides = array<i32>} : memref<125x128xf32, #tpu.memory_space<vmem>>, vector<1x16xf32>,
      }
      %scan3A_31 = arith.constant 125 : i32
      "tpu.region"() ({
        %run_scoped3A = tpu.sem_alloc : memref<!tpu.dma_semaphore, #tpu.memory_space<semaphore_mem>>
        %dma_start3A_32 = arith.constant 0 : i32
        %dma_start3A_33 = tpu.memref_slice %arg10[%scan3A_15, %dma_start3A_32] : memref<80x125xi32, #tpu.memory_space<vmem>> -> memref<1x125xi32, #tpu.memory_space<vmem>>
        %dma_start3A_34 = tpu.memref_squeeze %dma_start3A_33 : memref<1x125xi32, #tpu.memory_space<vmem>> -> memref<125xi32, #tpu.memory_space<vmem>>
        %dma_start3A_35 = arith.constant 0 : i32
        %dma_start3A_36 = arith.constant 0 : i32
        %dma_start3A_37 = tpu.memref_slice %arg8[%dma_start3A_35, %dma_start3A_36] : memref<10240x128xf32, #tpu.memory_space<vmem_shared>> -> memref<10240x128xf32, #tpu.memory_space<vmem_shared>>
        tpu.enqueue_indirect_dma source(%arg12 : memref<125x128xf32, #tpu.memory_space<vmem>>) target(%dma_start3A_37 : memref<10240x128xf32, #tpu.memory_space<vmem_shared>>) offsets(%dma_start3A_34 : memref<125xi32, #tpu.memory_space<vmem>>) semaphore(%run_scoped3A : memref<!tpu.dma_semaphore, #tpu.memory_space<semaphore_mem>>) {add = true}
        %dma_wait3A_38 = arith.constant 0 : i32
        %dma_wait3A_39 = tpu.memref_slice %arg10[%scan3A_15, %dma_wait3A_38] : memref<80x125xi32, #tpu.memory_space<vmem>> -> memref<1x125xi32, #tpu.memory_space<vmem>>
        %dma_wait3A_40 = tpu.memref_squeeze %dma_wait3A_39 : memref<1x125xi32, #tpu.memory_space<vmem>> -> memref<125xi32, #tpu.memory_space<vmem>>
        %dma_wait3A_41 = arith.constant 0 : i32
        %dma_wait3A_42 = arith.constant 0 : i32
        %dma_wait3A_43 = tpu.memref_slice %arg8[%dma_wait3A_41, %dma_wait3A_42] : memref<10240x128xf32, #tpu.memory_space<vmem_shared>> -> memref<10240x128xf32, #tpu.memory_space<vmem_shared>>
        tpu.wait_indirect_dma semaphore(%run_scoped3A : memref<!tpu.dma_semaphore, #tpu.memory_space<semaphore_mem>>) src(%arg12 : memref<125x128xf32, #tpu.memory_space<vmem>>) dst(%dma_wait3A_43 : memref<10240x128xf32, #tpu.memory_space<vmem_shared>>)
        tpu.yield
      }) : () -> ()
    }
    %scan3A_10 = arith.constant 80 : i32
    %barrier3A_11 = arith.constant 0 : index
    tpu.barrier barrier_id(%barrier3A_11)
    %mul3A = arith.constant 640 : i32
    %mul3A_12 = arith.muli %arg1, %mul3A : i32
    %mul3A_13 = arith.constant 640 : i32
    %mul3A_14 = arith.muli %arg1, %mul3A_13 : i32
    "tpu.region"() ({
      %run_scoped3A = tpu.sem_alloc : memref<!tpu.dma_semaphore, #tpu.memory_space<semaphore_mem>>
      %dma_start3A = arith.constant 0 : i32
      %dma_start3A_15 = tpu.memref_slice %arg7[%arg0, %mul3A_14, %dma_start3A] : memref<2x10240x128xf32, #tpu.memory_space<hbm>> -> memref<1x640x128xf32, #tpu.memory_space<hbm>>
      %dma_start3A_16 = tpu.memref_squeeze %dma_start3A_15 : memref<1x640x128xf32, #tpu.memory_space<hbm>> -> memref<640x128xf32, #tpu.memory_space<hbm>>
      %dma_start3A_17 = arith.constant 0 : i32
      %dma_start3A_18 = tpu.memref_slice %arg8[%mul3A_12, %dma_start3A_17] : memref<10240x128xf32, #tpu.memory_space<vmem_shared>> -> memref<640x128xf32, #tpu.memory_space<vmem_shared>>
      tpu.enqueue_dma source(%dma_start3A_18 : memref<640x128xf32, #tpu.memory_space<vmem_shared>>) target(%dma_start3A_16 : memref<640x128xf32, #tpu.memory_space<hbm>>) target_semaphore(%run_scoped3A : memref<!tpu.dma_semaphore, #tpu.memory_space<semaphore_mem>>)
      %dma_wait3A = arith.constant 0 : i32
      %dma_wait3A_19 = tpu.memref_slice %arg7[%arg0, %mul3A_14, %dma_wait3A] : memref<2x10240x128xf32, #tpu.memory_space<hbm>> -> memref<1x640x128xf32, #tpu.memory_space<hbm>>
      %dma_wait3A_20 = tpu.memref_squeeze %dma_wait3A_19 : memref<1x640x128xf32, #tpu.memory_space<hbm>> -> memref<640x128xf32, #tpu.memory_space<hbm>>
      %dma_wait3A_21 = arith.constant 0 : i32
      %dma_wait3A_22 = tpu.memref_slice %arg8[%mul3A_12, %dma_wait3A_21] : memref<10240x128xf32, #tpu.memory_space<vmem_shared>> -> memref<640x128xf32, #tpu.memory_space<vmem_shared>>
      tpu.wait_dma2 semaphore(%run_scoped3A : memref<!tpu.dma_semaphore, #tpu.memory_space<semaphore_mem>>) src(%dma_wait3A_22 : memref<640x128xf32, #tpu.memory_space<vmem_shared>>) dst(%dma_wait3A_20 : memref<640x128xf32, #tpu.memory_space<hbm>>)
      tpu.yield
    }) : () -> ()
    return
  }
}

#map = affine_map<(d0, d1) -> (0, 0)>
#map1 = affine_map<(d0, d1) -> (0, 0, 0, 0)>
#map2 = affine_map<(d0, d1) -> (0, 0, 0, 0, 0)>
#map3 = affine_map<(d0, d1) -> (0, 0, 0)>
module attributes {stable_mosaic.version = 14 : i64} {
  func.func @_sc_agg(%arg0: i32, %arg1: i32, %arg2: memref<10240x128xf32, #tpu.memory_space<hbm>>, %arg3: memref<10240x128xf32, #tpu.memory_space<hbm>>, %arg4: memref<2x16x80x125xi32, #tpu.memory_space<hbm>>, %arg5: memref<2x16x80x125xi32, #tpu.memory_space<hbm>>, %arg6: memref<2x16x80x125x16xf32, #tpu.memory_space<hbm>>, %arg7: memref<2x10240x128xf32, #tpu.memory_space<hbm>>, %arg8: memref<10240x128xf32, #tpu.memory_space<vmem_shared>>, %arg9: memref<80x125xi32, #tpu.memory_space<vmem>>, %arg10: memref<80x125xi32, #tpu.memory_space<vmem>>, %arg11: memref<125x16xf32, #tpu.memory_space<vmem>>, %arg12: memref<125x128xf32, #tpu.memory_space<vmem>>, %arg13: memref<!tpu.dma_semaphore, #tpu.memory_space<semaphore_mem>>) attributes {dimension_semantics = [#tpu.dimension_semantics<core_parallel>, #tpu.dimension_semantics<subcore_parallel>], iteration_bounds = array<i64: 2, 16>, scalar_prefetch = 0 : i64, scratch_operands = 6 : i64, tpu.core_type = #tpu.core_type<sc_vector_subcore>, window_params = [{transform_indices = #map}, {transform_indices = #map}, {transform_indices = #map1}, {transform_indices = #map1}, {transform_indices = #map2}, {transform_indices = #map3}]} {
    %eq3A = arith.constant 0 : i32
    %eq3A_0 = arith.cmpi eq, %arg0, %eq3A : i32
    %convert_element_type3A = arith.extui %eq3A_0 : i1 to i32
    %cond3A = arith.constant 0 : i32
    %cond3A_1 = arith.cmpi ne, %convert_element_type3A, %cond3A : i32
    scf.if %cond3A_1 {
      %mul3A_15 = arith.constant 640 : i32
      %mul3A_16 = arith.muli %arg1, %mul3A_15 : i32
      %mul3A_17 = arith.constant 640 : i32
      %mul3A_18 = arith.muli %arg1, %mul3A_17 : i32
      "tpu.region"() ({
        %run_scoped3A = tpu.sem_alloc : memref<!tpu.dma_semaphore, #tpu.memory_space<semaphore_mem>>
        %dma_start3A = arith.constant 0 : i32
        %dma_start3A_19 = tpu.memref_slice %arg8[%mul3A_18, %dma_start3A] : memref<10240x128xf32, #tpu.memory_space<vmem_shared>> -> memref<640x128xf32, #tpu.memory_space<vmem_shared>>
        %dma_start3A_20 = arith.constant 0 : i32
        %dma_start3A_21 = tpu.memref_slice %arg2[%mul3A_16, %dma_start3A_20] : memref<10240x128xf32, #tpu.memory_space<hbm>> -> memref<640x128xf32, #tpu.memory_space<hbm>>
        tpu.enqueue_dma source(%dma_start3A_21 : memref<640x128xf32, #tpu.memory_space<hbm>>) target(%dma_start3A_19 : memref<640x128xf32, #tpu.memory_space<vmem_shared>>) target_semaphore(%run_scoped3A : memref<!tpu.dma_semaphore, #tpu.memory_space<semaphore_mem>>)
        %dma_wait3A = arith.constant 0 : i32
        %dma_wait3A_22 = tpu.memref_slice %arg8[%mul3A_18, %dma_wait3A] : memref<10240x128xf32, #tpu.memory_space<vmem_shared>> -> memref<640x128xf32, #tpu.memory_space<vmem_shared>>
        %dma_wait3A_23 = arith.constant 0 : i32
        %dma_wait3A_24 = tpu.memref_slice %arg2[%mul3A_16, %dma_wait3A_23] : memref<10240x128xf32, #tpu.memory_space<hbm>> -> memref<640x128xf32, #tpu.memory_space<hbm>>
        tpu.wait_dma2 semaphore(%run_scoped3A : memref<!tpu.dma_semaphore, #tpu.memory_space<semaphore_mem>>) src(%dma_wait3A_24 : memref<640x128xf32, #tpu.memory_space<hbm>>) dst(%dma_wait3A_22 : memref<640x128xf32, #tpu.memory_space<vmem_shared>>)
        tpu.yield
      }) : () -> ()
    } else {
    }
    %ne3A = arith.constant 0 : i32
    %ne3A_2 = arith.cmpi ne, %arg0, %ne3A : i32
    %convert_element_type3A_3 = arith.extui %ne3A_2 : i1 to i32
    %cond3A_4 = arith.constant 0 : i32
    %cond3A_5 = arith.cmpi ne, %convert_element_type3A_3, %cond3A_4 : i32
    scf.if %cond3A_5 {
      %mul3A_15 = arith.constant 640 : i32
      %mul3A_16 = arith.muli %arg1, %mul3A_15 : i32
      %mul3A_17 = arith.constant 640 : i32
      %mul3A_18 = arith.muli %arg1, %mul3A_17 : i32
      "tpu.region"() ({
        %run_scoped3A = tpu.sem_alloc : memref<!tpu.dma_semaphore, #tpu.memory_space<semaphore_mem>>
        %dma_start3A = arith.constant 0 : i32
        %dma_start3A_19 = tpu.memref_slice %arg8[%mul3A_18, %dma_start3A] : memref<10240x128xf32, #tpu.memory_space<vmem_shared>> -> memref<640x128xf32, #tpu.memory_space<vmem_shared>>
        %dma_start3A_20 = arith.constant 0 : i32
        %dma_start3A_21 = tpu.memref_slice %arg3[%mul3A_16, %dma_start3A_20] : memref<10240x128xf32, #tpu.memory_space<hbm>> -> memref<640x128xf32, #tpu.memory_space<hbm>>
        tpu.enqueue_dma source(%dma_start3A_21 : memref<640x128xf32, #tpu.memory_space<hbm>>) target(%dma_start3A_19 : memref<640x128xf32, #tpu.memory_space<vmem_shared>>) target_semaphore(%run_scoped3A : memref<!tpu.dma_semaphore, #tpu.memory_space<semaphore_mem>>)
        %dma_wait3A = arith.constant 0 : i32
        %dma_wait3A_22 = tpu.memref_slice %arg8[%mul3A_18, %dma_wait3A] : memref<10240x128xf32, #tpu.memory_space<vmem_shared>> -> memref<640x128xf32, #tpu.memory_space<vmem_shared>>
        %dma_wait3A_23 = arith.constant 0 : i32
        %dma_wait3A_24 = tpu.memref_slice %arg3[%mul3A_16, %dma_wait3A_23] : memref<10240x128xf32, #tpu.memory_space<hbm>> -> memref<640x128xf32, #tpu.memory_space<hbm>>
        tpu.wait_dma2 semaphore(%run_scoped3A : memref<!tpu.dma_semaphore, #tpu.memory_space<semaphore_mem>>) src(%dma_wait3A_24 : memref<640x128xf32, #tpu.memory_space<hbm>>) dst(%dma_wait3A_22 : memref<640x128xf32, #tpu.memory_space<vmem_shared>>)
        tpu.yield
      }) : () -> ()
    } else {
    }
    "tpu.region"() ({
      %run_scoped3A = tpu.sem_alloc : memref<!tpu.dma_semaphore, #tpu.memory_space<semaphore_mem>>
      %dma_start3A = arith.constant 0 : i32
      %dma_start3A_15 = arith.constant 0 : i32
      %dma_start3A_16 = tpu.memref_slice %arg4[%arg0, %arg1, %dma_start3A, %dma_start3A_15] : memref<2x16x80x125xi32, #tpu.memory_space<hbm>> -> memref<1x1x80x125xi32, #tpu.memory_space<hbm>>
      %dma_start3A_17 = tpu.memref_squeeze %dma_start3A_16 : memref<1x1x80x125xi32, #tpu.memory_space<hbm>> -> memref<80x125xi32, #tpu.memory_space<hbm>>
      %dma_start3A_18 = arith.constant 0 : i32
      %dma_start3A_19 = arith.constant 0 : i32
      %dma_start3A_20 = tpu.memref_slice %arg4[%arg0, %arg1, %dma_start3A_18, %dma_start3A_19] : memref<2x16x80x125xi32, #tpu.memory_space<hbm>> -> memref<1x1x80x125xi32, #tpu.memory_space<hbm>>
      %dma_start3A_21 = tpu.memref_squeeze %dma_start3A_20 : memref<1x1x80x125xi32, #tpu.memory_space<hbm>> -> memref<80x125xi32, #tpu.memory_space<hbm>>
      tpu.enqueue_dma source(%dma_start3A_21 : memref<80x125xi32, #tpu.memory_space<hbm>>) target(%arg9 : memref<80x125xi32, #tpu.memory_space<vmem>>) target_semaphore(%run_scoped3A : memref<!tpu.dma_semaphore, #tpu.memory_space<semaphore_mem>>)
      %dma_wait3A = arith.constant 0 : i32
      %dma_wait3A_22 = arith.constant 0 : i32
      %dma_wait3A_23 = tpu.memref_slice %arg4[%arg0, %arg1, %dma_wait3A, %dma_wait3A_22] : memref<2x16x80x125xi32, #tpu.memory_space<hbm>> -> memref<1x1x80x125xi32, #tpu.memory_space<hbm>>
      %dma_wait3A_24 = tpu.memref_squeeze %dma_wait3A_23 : memref<1x1x80x125xi32, #tpu.memory_space<hbm>> -> memref<80x125xi32, #tpu.memory_space<hbm>>
      %dma_wait3A_25 = arith.constant 0 : i32
      %dma_wait3A_26 = arith.constant 0 : i32
      %dma_wait3A_27 = tpu.memref_slice %arg4[%arg0, %arg1, %dma_wait3A_25, %dma_wait3A_26] : memref<2x16x80x125xi32, #tpu.memory_space<hbm>> -> memref<1x1x80x125xi32, #tpu.memory_space<hbm>>
      %dma_wait3A_28 = tpu.memref_squeeze %dma_wait3A_27 : memref<1x1x80x125xi32, #tpu.memory_space<hbm>> -> memref<80x125xi32, #tpu.memory_space<hbm>>
      tpu.wait_dma2 semaphore(%run_scoped3A : memref<!tpu.dma_semaphore, #tpu.memory_space<semaphore_mem>>) src(%dma_wait3A_28 : memref<80x125xi32, #tpu.memory_space<hbm>>) dst(%arg9 : memref<80x125xi32, #tpu.memory_space<vmem>>)
      tpu.yield
    }) : () -> ()
    "tpu.region"() ({
      %run_scoped3A = tpu.sem_alloc : memref<!tpu.dma_semaphore, #tpu.memory_space<semaphore_mem>>
      %dma_start3A = arith.constant 0 : i32
      %dma_start3A_15 = arith.constant 0 : i32
      %dma_start3A_16 = tpu.memref_slice %arg5[%arg0, %arg1, %dma_start3A, %dma_start3A_15] : memref<2x16x80x125xi32, #tpu.memory_space<hbm>> -> memref<1x1x80x125xi32, #tpu.memory_space<hbm>>
      %dma_start3A_17 = tpu.memref_squeeze %dma_start3A_16 : memref<1x1x80x125xi32, #tpu.memory_space<hbm>> -> memref<80x125xi32, #tpu.memory_space<hbm>>
      %dma_start3A_18 = arith.constant 0 : i32
      %dma_start3A_19 = arith.constant 0 : i32
      %dma_start3A_20 = tpu.memref_slice %arg5[%arg0, %arg1, %dma_start3A_18, %dma_start3A_19] : memref<2x16x80x125xi32, #tpu.memory_space<hbm>> -> memref<1x1x80x125xi32, #tpu.memory_space<hbm>>
      %dma_start3A_21 = tpu.memref_squeeze %dma_start3A_20 : memref<1x1x80x125xi32, #tpu.memory_space<hbm>> -> memref<80x125xi32, #tpu.memory_space<hbm>>
      tpu.enqueue_dma source(%dma_start3A_21 : memref<80x125xi32, #tpu.memory_space<hbm>>) target(%arg10 : memref<80x125xi32, #tpu.memory_space<vmem>>) target_semaphore(%run_scoped3A : memref<!tpu.dma_semaphore, #tpu.memory_space<semaphore_mem>>)
      %dma_wait3A = arith.constant 0 : i32
      %dma_wait3A_22 = arith.constant 0 : i32
      %dma_wait3A_23 = tpu.memref_slice %arg5[%arg0, %arg1, %dma_wait3A, %dma_wait3A_22] : memref<2x16x80x125xi32, #tpu.memory_space<hbm>> -> memref<1x1x80x125xi32, #tpu.memory_space<hbm>>
      %dma_wait3A_24 = tpu.memref_squeeze %dma_wait3A_23 : memref<1x1x80x125xi32, #tpu.memory_space<hbm>> -> memref<80x125xi32, #tpu.memory_space<hbm>>
      %dma_wait3A_25 = arith.constant 0 : i32
      %dma_wait3A_26 = arith.constant 0 : i32
      %dma_wait3A_27 = tpu.memref_slice %arg5[%arg0, %arg1, %dma_wait3A_25, %dma_wait3A_26] : memref<2x16x80x125xi32, #tpu.memory_space<hbm>> -> memref<1x1x80x125xi32, #tpu.memory_space<hbm>>
      %dma_wait3A_28 = tpu.memref_squeeze %dma_wait3A_27 : memref<1x1x80x125xi32, #tpu.memory_space<hbm>> -> memref<80x125xi32, #tpu.memory_space<hbm>>
      tpu.wait_dma2 semaphore(%run_scoped3A : memref<!tpu.dma_semaphore, #tpu.memory_space<semaphore_mem>>) src(%dma_wait3A_28 : memref<80x125xi32, #tpu.memory_space<hbm>>) dst(%arg10 : memref<80x125xi32, #tpu.memory_space<vmem>>)
      tpu.yield
    }) : () -> ()
    %barrier3A = arith.constant 0 : index
    tpu.barrier barrier_id(%barrier3A)
    %scan3A = arith.constant 0 : i32
    %scan3A_6 = arith.constant 0 : i32
    %scan3A_7 = arith.constant 80 : i32
    %scan3A_8 = arith.addi %scan3A_6, %scan3A_7 : i32
    %scan3A_9 = arith.constant 1 : i32
    scf.for %scan3A_15 = %scan3A_6 to %scan3A_8 step %scan3A_9  : i32 {
      "tpu.region"() ({
        %run_scoped3A = tpu.sem_alloc : memref<!tpu.dma_semaphore, #tpu.memory_space<semaphore_mem>>
        %dma_start3A_32 = arith.constant 0 : i32
        %dma_start3A_33 = arith.constant 0 : i32
        %dma_start3A_34 = tpu.memref_slice %arg6[%arg0, %arg1, %scan3A_15, %dma_start3A_32, %dma_start3A_33] : memref<2x16x80x125x16xf32, #tpu.memory_space<hbm>> -> memref<1x1x1x125x16xf32, #tpu.memory_space<hbm>>
        %dma_start3A_35 = tpu.memref_squeeze %dma_start3A_34 : memref<1x1x1x125x16xf32, #tpu.memory_space<hbm>> -> memref<125x16xf32, #tpu.memory_space<hbm>>
        %dma_start3A_36 = arith.constant 0 : i32
        %dma_start3A_37 = arith.constant 0 : i32
        %dma_start3A_38 = tpu.memref_slice %arg6[%arg0, %arg1, %scan3A_15, %dma_start3A_36, %dma_start3A_37] : memref<2x16x80x125x16xf32, #tpu.memory_space<hbm>> -> memref<1x1x1x125x16xf32, #tpu.memory_space<hbm>>
        %dma_start3A_39 = tpu.memref_squeeze %dma_start3A_38 : memref<1x1x1x125x16xf32, #tpu.memory_space<hbm>> -> memref<125x16xf32, #tpu.memory_space<hbm>>
        tpu.enqueue_dma source(%dma_start3A_39 : memref<125x16xf32, #tpu.memory_space<hbm>>) target(%arg11 : memref<125x16xf32, #tpu.memory_space<vmem>>) target_semaphore(%run_scoped3A : memref<!tpu.dma_semaphore, #tpu.memory_space<semaphore_mem>>)
        %dma_wait3A_40 = arith.constant 0 : i32
        %dma_wait3A_41 = arith.constant 0 : i32
        %dma_wait3A_42 = tpu.memref_slice %arg6[%arg0, %arg1, %scan3A_15, %dma_wait3A_40, %dma_wait3A_41] : memref<2x16x80x125x16xf32, #tpu.memory_space<hbm>> -> memref<1x1x1x125x16xf32, #tpu.memory_space<hbm>>
        %dma_wait3A_43 = tpu.memref_squeeze %dma_wait3A_42 : memref<1x1x1x125x16xf32, #tpu.memory_space<hbm>> -> memref<125x16xf32, #tpu.memory_space<hbm>>
        %dma_wait3A_44 = arith.constant 0 : i32
        %dma_wait3A_45 = arith.constant 0 : i32
        %dma_wait3A_46 = tpu.memref_slice %arg6[%arg0, %arg1, %scan3A_15, %dma_wait3A_44, %dma_wait3A_45] : memref<2x16x80x125x16xf32, #tpu.memory_space<hbm>> -> memref<1x1x1x125x16xf32, #tpu.memory_space<hbm>>
        %dma_wait3A_47 = tpu.memref_squeeze %dma_wait3A_46 : memref<1x1x1x125x16xf32, #tpu.memory_space<hbm>> -> memref<125x16xf32, #tpu.memory_space<hbm>>
        tpu.wait_dma2 semaphore(%run_scoped3A : memref<!tpu.dma_semaphore, #tpu.memory_space<semaphore_mem>>) src(%dma_wait3A_47 : memref<125x16xf32, #tpu.memory_space<hbm>>) dst(%arg11 : memref<125x16xf32, #tpu.memory_space<vmem>>)
        tpu.yield
      }) : () -> ()
      %dma_start3A = arith.constant 0 : i32
      %dma_start3A_16 = tpu.memref_slice %arg9[%scan3A_15, %dma_start3A] : memref<80x125xi32, #tpu.memory_space<vmem>> -> memref<1x125xi32, #tpu.memory_space<vmem>>
      %dma_start3A_17 = tpu.memref_squeeze %dma_start3A_16 : memref<1x125xi32, #tpu.memory_space<vmem>> -> memref<125xi32, #tpu.memory_space<vmem>>
      %dma_start3A_18 = arith.constant 0 : i32
      %dma_start3A_19 = arith.constant 0 : i32
      %dma_start3A_20 = tpu.memref_slice %arg2[%dma_start3A_18, %dma_start3A_19] : memref<10240x128xf32, #tpu.memory_space<hbm>> -> memref<10240x128xf32, #tpu.memory_space<hbm>>
      tpu.enqueue_indirect_dma source(%dma_start3A_20 : memref<10240x128xf32, #tpu.memory_space<hbm>>) target(%arg12 : memref<125x128xf32, #tpu.memory_space<vmem>>) offsets(%dma_start3A_17 : memref<125xi32, #tpu.memory_space<vmem>>) semaphore(%arg13 : memref<!tpu.dma_semaphore, #tpu.memory_space<semaphore_mem>>)
      %dma_wait3A = arith.constant 0 : i32
      %dma_wait3A_21 = tpu.memref_slice %arg9[%scan3A_15, %dma_wait3A] : memref<80x125xi32, #tpu.memory_space<vmem>> -> memref<1x125xi32, #tpu.memory_space<vmem>>
      %dma_wait3A_22 = tpu.memref_squeeze %dma_wait3A_21 : memref<1x125xi32, #tpu.memory_space<vmem>> -> memref<125xi32, #tpu.memory_space<vmem>>
      %dma_wait3A_23 = arith.constant 0 : i32
      %dma_wait3A_24 = arith.constant 0 : i32
      %dma_wait3A_25 = tpu.memref_slice %arg2[%dma_wait3A_23, %dma_wait3A_24] : memref<10240x128xf32, #tpu.memory_space<hbm>> -> memref<10240x128xf32, #tpu.memory_space<hbm>>
      tpu.wait_indirect_dma semaphore(%arg13 : memref<!tpu.dma_semaphore, #tpu.memory_space<semaphore_mem>>) src(%dma_wait3A_25 : memref<10240x128xf32, #tpu.memory_space<hbm>>) dst(%arg12 : memref<125x128xf32, #tpu.memory_space<vmem>>)
      %scan3A_26 = arith.constant 0 : i32
      %scan3A_27 = arith.constant 0 : i32
      %scan3A_28 = arith.constant 125 : i32
      %scan3A_29 = arith.addi %scan3A_27, %scan3A_28 : i32
      %scan3A_30 = arith.constant 1 : i32
      scf.for %scan3A_32 = %scan3A_27 to %scan3A_29 step %scan3A_30  : i32 {
        %get3A = arith.index_cast %scan3A_32 : i32 to index
        %get3A_33 = arith.constant 0 : index
        %get3A_34 = tpu.vector_load %arg11[%get3A, %get3A_33] {strides = array<i32>} : memref<125x16xf32, #tpu.memory_space<vmem>>, vector<1x16xf32>,
        %get3A_35 = vector.shape_cast %get3A_34 : vector<1x16xf32> to vector<16xf32>
        %get3A_36 = arith.index_cast %scan3A_32 : i32 to index
        %get3A_37 = arith.constant 0 : index
        %get3A_38 = tpu.vector_load %arg12[%get3A_36, %get3A_37] {strides = array<i32>} : memref<125x128xf32, #tpu.memory_space<vmem>>, vector<1x16xf32>,
        %get3A_39 = vector.shape_cast %get3A_38 : vector<1x16xf32> to vector<16xf32>
        %mul3A_40 = arith.mulf %get3A_39, %get3A_35 : vector<16xf32>
        %swap3A = arith.index_cast %scan3A_32 : i32 to index
        %swap3A_41 = arith.constant 0 : index
        %swap3A_42 = tpu.vector_load %arg12[%swap3A, %swap3A_41] {strides = array<i32>} : memref<125x128xf32, #tpu.memory_space<vmem>>, vector<1x16xf32>,
        %swap3A_43 = vector.shape_cast %swap3A_42 : vector<1x16xf32> to vector<16xf32>
        %swap3A_44 = vector.shape_cast %mul3A_40 : vector<16xf32> to vector<1x16xf32>
        tpu.vector_store %arg12[%swap3A, %swap3A_41], %swap3A_44 {strides = array<i32>} : memref<125x128xf32, #tpu.memory_space<vmem>>, vector<1x16xf32>,
        %get3A_45 = arith.index_cast %scan3A_32 : i32 to index
        %get3A_46 = arith.constant 16 : index
        %get3A_47 = tpu.vector_load %arg12[%get3A_45, %get3A_46] {strides = array<i32>} : memref<125x128xf32, #tpu.memory_space<vmem>>, vector<1x16xf32>,
        %get3A_48 = vector.shape_cast %get3A_47 : vector<1x16xf32> to vector<16xf32>
        %mul3A_49 = arith.mulf %get3A_48, %get3A_35 : vector<16xf32>
        %swap3A_50 = arith.index_cast %scan3A_32 : i32 to index
        %swap3A_51 = arith.constant 16 : index
        %swap3A_52 = tpu.vector_load %arg12[%swap3A_50, %swap3A_51] {strides = array<i32>} : memref<125x128xf32, #tpu.memory_space<vmem>>, vector<1x16xf32>,
        %swap3A_53 = vector.shape_cast %swap3A_52 : vector<1x16xf32> to vector<16xf32>
        %swap3A_54 = vector.shape_cast %mul3A_49 : vector<16xf32> to vector<1x16xf32>
        tpu.vector_store %arg12[%swap3A_50, %swap3A_51], %swap3A_54 {strides = array<i32>} : memref<125x128xf32, #tpu.memory_space<vmem>>, vector<1x16xf32>,
        %get3A_55 = arith.index_cast %scan3A_32 : i32 to index
        %get3A_56 = arith.constant 32 : index
        %get3A_57 = tpu.vector_load %arg12[%get3A_55, %get3A_56] {strides = array<i32>} : memref<125x128xf32, #tpu.memory_space<vmem>>, vector<1x16xf32>,
        %get3A_58 = vector.shape_cast %get3A_57 : vector<1x16xf32> to vector<16xf32>
        %mul3A_59 = arith.mulf %get3A_58, %get3A_35 : vector<16xf32>
        %swap3A_60 = arith.index_cast %scan3A_32 : i32 to index
        %swap3A_61 = arith.constant 32 : index
        %swap3A_62 = tpu.vector_load %arg12[%swap3A_60, %swap3A_61] {strides = array<i32>} : memref<125x128xf32, #tpu.memory_space<vmem>>, vector<1x16xf32>,
        %swap3A_63 = vector.shape_cast %swap3A_62 : vector<1x16xf32> to vector<16xf32>
        %swap3A_64 = vector.shape_cast %mul3A_59 : vector<16xf32> to vector<1x16xf32>
        tpu.vector_store %arg12[%swap3A_60, %swap3A_61], %swap3A_64 {strides = array<i32>} : memref<125x128xf32, #tpu.memory_space<vmem>>, vector<1x16xf32>,
        %get3A_65 = arith.index_cast %scan3A_32 : i32 to index
        %get3A_66 = arith.constant 48 : index
        %get3A_67 = tpu.vector_load %arg12[%get3A_65, %get3A_66] {strides = array<i32>} : memref<125x128xf32, #tpu.memory_space<vmem>>, vector<1x16xf32>,
        %get3A_68 = vector.shape_cast %get3A_67 : vector<1x16xf32> to vector<16xf32>
        %mul3A_69 = arith.mulf %get3A_68, %get3A_35 : vector<16xf32>
        %swap3A_70 = arith.index_cast %scan3A_32 : i32 to index
        %swap3A_71 = arith.constant 48 : index
        %swap3A_72 = tpu.vector_load %arg12[%swap3A_70, %swap3A_71] {strides = array<i32>} : memref<125x128xf32, #tpu.memory_space<vmem>>, vector<1x16xf32>,
        %swap3A_73 = vector.shape_cast %swap3A_72 : vector<1x16xf32> to vector<16xf32>
        %swap3A_74 = vector.shape_cast %mul3A_69 : vector<16xf32> to vector<1x16xf32>
        tpu.vector_store %arg12[%swap3A_70, %swap3A_71], %swap3A_74 {strides = array<i32>} : memref<125x128xf32, #tpu.memory_space<vmem>>, vector<1x16xf32>,
        %get3A_75 = arith.index_cast %scan3A_32 : i32 to index
        %get3A_76 = arith.constant 64 : index
        %get3A_77 = tpu.vector_load %arg12[%get3A_75, %get3A_76] {strides = array<i32>} : memref<125x128xf32, #tpu.memory_space<vmem>>, vector<1x16xf32>,
        %get3A_78 = vector.shape_cast %get3A_77 : vector<1x16xf32> to vector<16xf32>
        %mul3A_79 = arith.mulf %get3A_78, %get3A_35 : vector<16xf32>
        %swap3A_80 = arith.index_cast %scan3A_32 : i32 to index
        %swap3A_81 = arith.constant 64 : index
        %swap3A_82 = tpu.vector_load %arg12[%swap3A_80, %swap3A_81] {strides = array<i32>} : memref<125x128xf32, #tpu.memory_space<vmem>>, vector<1x16xf32>,
        %swap3A_83 = vector.shape_cast %swap3A_82 : vector<1x16xf32> to vector<16xf32>
        %swap3A_84 = vector.shape_cast %mul3A_79 : vector<16xf32> to vector<1x16xf32>
        tpu.vector_store %arg12[%swap3A_80, %swap3A_81], %swap3A_84 {strides = array<i32>} : memref<125x128xf32, #tpu.memory_space<vmem>>, vector<1x16xf32>,
        %get3A_85 = arith.index_cast %scan3A_32 : i32 to index
        %get3A_86 = arith.constant 80 : index
        %get3A_87 = tpu.vector_load %arg12[%get3A_85, %get3A_86] {strides = array<i32>} : memref<125x128xf32, #tpu.memory_space<vmem>>, vector<1x16xf32>,
        %get3A_88 = vector.shape_cast %get3A_87 : vector<1x16xf32> to vector<16xf32>
        %mul3A_89 = arith.mulf %get3A_88, %get3A_35 : vector<16xf32>
        %swap3A_90 = arith.index_cast %scan3A_32 : i32 to index
        %swap3A_91 = arith.constant 80 : index
        %swap3A_92 = tpu.vector_load %arg12[%swap3A_90, %swap3A_91] {strides = array<i32>} : memref<125x128xf32, #tpu.memory_space<vmem>>, vector<1x16xf32>,
        %swap3A_93 = vector.shape_cast %swap3A_92 : vector<1x16xf32> to vector<16xf32>
        %swap3A_94 = vector.shape_cast %mul3A_89 : vector<16xf32> to vector<1x16xf32>
        tpu.vector_store %arg12[%swap3A_90, %swap3A_91], %swap3A_94 {strides = array<i32>} : memref<125x128xf32, #tpu.memory_space<vmem>>, vector<1x16xf32>,
        %get3A_95 = arith.index_cast %scan3A_32 : i32 to index
        %get3A_96 = arith.constant 96 : index
        %get3A_97 = tpu.vector_load %arg12[%get3A_95, %get3A_96] {strides = array<i32>} : memref<125x128xf32, #tpu.memory_space<vmem>>, vector<1x16xf32>,
        %get3A_98 = vector.shape_cast %get3A_97 : vector<1x16xf32> to vector<16xf32>
        %mul3A_99 = arith.mulf %get3A_98, %get3A_35 : vector<16xf32>
        %swap3A_100 = arith.index_cast %scan3A_32 : i32 to index
        %swap3A_101 = arith.constant 96 : index
        %swap3A_102 = tpu.vector_load %arg12[%swap3A_100, %swap3A_101] {strides = array<i32>} : memref<125x128xf32, #tpu.memory_space<vmem>>, vector<1x16xf32>,
        %swap3A_103 = vector.shape_cast %swap3A_102 : vector<1x16xf32> to vector<16xf32>
        %swap3A_104 = vector.shape_cast %mul3A_99 : vector<16xf32> to vector<1x16xf32>
        tpu.vector_store %arg12[%swap3A_100, %swap3A_101], %swap3A_104 {strides = array<i32>} : memref<125x128xf32, #tpu.memory_space<vmem>>, vector<1x16xf32>,
        %get3A_105 = arith.index_cast %scan3A_32 : i32 to index
        %get3A_106 = arith.constant 112 : index
        %get3A_107 = tpu.vector_load %arg12[%get3A_105, %get3A_106] {strides = array<i32>} : memref<125x128xf32, #tpu.memory_space<vmem>>, vector<1x16xf32>,
        %get3A_108 = vector.shape_cast %get3A_107 : vector<1x16xf32> to vector<16xf32>
        %mul3A_109 = arith.mulf %get3A_108, %get3A_35 : vector<16xf32>
        %swap3A_110 = arith.index_cast %scan3A_32 : i32 to index
        %swap3A_111 = arith.constant 112 : index
        %swap3A_112 = tpu.vector_load %arg12[%swap3A_110, %swap3A_111] {strides = array<i32>} : memref<125x128xf32, #tpu.memory_space<vmem>>, vector<1x16xf32>,
        %swap3A_113 = vector.shape_cast %swap3A_112 : vector<1x16xf32> to vector<16xf32>
        %swap3A_114 = vector.shape_cast %mul3A_109 : vector<16xf32> to vector<1x16xf32>
        tpu.vector_store %arg12[%swap3A_110, %swap3A_111], %swap3A_114 {strides = array<i32>} : memref<125x128xf32, #tpu.memory_space<vmem>>, vector<1x16xf32>,
      }
      %scan3A_31 = arith.constant 125 : i32
      "tpu.region"() ({
        %run_scoped3A = tpu.sem_alloc : memref<!tpu.dma_semaphore, #tpu.memory_space<semaphore_mem>>
        %dma_start3A_32 = arith.constant 0 : i32
        %dma_start3A_33 = tpu.memref_slice %arg10[%scan3A_15, %dma_start3A_32] : memref<80x125xi32, #tpu.memory_space<vmem>> -> memref<1x125xi32, #tpu.memory_space<vmem>>
        %dma_start3A_34 = tpu.memref_squeeze %dma_start3A_33 : memref<1x125xi32, #tpu.memory_space<vmem>> -> memref<125xi32, #tpu.memory_space<vmem>>
        %dma_start3A_35 = arith.constant 0 : i32
        %dma_start3A_36 = arith.constant 0 : i32
        %dma_start3A_37 = tpu.memref_slice %arg8[%dma_start3A_35, %dma_start3A_36] : memref<10240x128xf32, #tpu.memory_space<vmem_shared>> -> memref<10240x128xf32, #tpu.memory_space<vmem_shared>>
        tpu.enqueue_indirect_dma source(%arg12 : memref<125x128xf32, #tpu.memory_space<vmem>>) target(%dma_start3A_37 : memref<10240x128xf32, #tpu.memory_space<vmem_shared>>) offsets(%dma_start3A_34 : memref<125xi32, #tpu.memory_space<vmem>>) semaphore(%run_scoped3A : memref<!tpu.dma_semaphore, #tpu.memory_space<semaphore_mem>>) {add = true}
        %dma_wait3A_38 = arith.constant 0 : i32
        %dma_wait3A_39 = tpu.memref_slice %arg10[%scan3A_15, %dma_wait3A_38] : memref<80x125xi32, #tpu.memory_space<vmem>> -> memref<1x125xi32, #tpu.memory_space<vmem>>
        %dma_wait3A_40 = tpu.memref_squeeze %dma_wait3A_39 : memref<1x125xi32, #tpu.memory_space<vmem>> -> memref<125xi32, #tpu.memory_space<vmem>>
        %dma_wait3A_41 = arith.constant 0 : i32
        %dma_wait3A_42 = arith.constant 0 : i32
        %dma_wait3A_43 = tpu.memref_slice %arg8[%dma_wait3A_41, %dma_wait3A_42] : memref<10240x128xf32, #tpu.memory_space<vmem_shared>> -> memref<10240x128xf32, #tpu.memory_space<vmem_shared>>
        tpu.wait_indirect_dma semaphore(%run_scoped3A : memref<!tpu.dma_semaphore, #tpu.memory_space<semaphore_mem>>) src(%arg12 : memref<125x128xf32, #tpu.memory_space<vmem>>) dst(%dma_wait3A_43 : memref<10240x128xf32, #tpu.memory_space<vmem_shared>>)
        tpu.yield
      }) : () -> ()
    }
    %scan3A_10 = arith.constant 80 : i32
    %barrier3A_11 = arith.constant 0 : index
    tpu.barrier barrier_id(%barrier3A_11)
    %mul3A = arith.constant 640 : i32
    %mul3A_12 = arith.muli %arg1, %mul3A : i32
    %mul3A_13 = arith.constant 640 : i32
    %mul3A_14 = arith.muli %arg1, %mul3A_13 : i32
    "tpu.region"() ({
      %run_scoped3A = tpu.sem_alloc : memref<!tpu.dma_semaphore, #tpu.memory_space<semaphore_mem>>
      %dma_start3A = arith.constant 0 : i32
      %dma_start3A_15 = tpu.memref_slice %arg7[%arg0, %mul3A_14, %dma_start3A] : memref<2x10240x128xf32, #tpu.memory_space<hbm>> -> memref<1x640x128xf32, #tpu.memory_space<hbm>>
      %dma_start3A_16 = tpu.memref_squeeze %dma_start3A_15 : memref<1x640x128xf32, #tpu.memory_space<hbm>> -> memref<640x128xf32, #tpu.memory_space<hbm>>
      %dma_start3A_17 = arith.constant 0 : i32
      %dma_start3A_18 = tpu.memref_slice %arg8[%mul3A_12, %dma_start3A_17] : memref<10240x128xf32, #tpu.memory_space<vmem_shared>> -> memref<640x128xf32, #tpu.memory_space<vmem_shared>>
      tpu.enqueue_dma source(%dma_start3A_18 : memref<640x128xf32, #tpu.memory_space<vmem_shared>>) target(%dma_start3A_16 : memref<640x128xf32, #tpu.memory_space<hbm>>) target_semaphore(%run_scoped3A : memref<!tpu.dma_semaphore, #tpu.memory_space<semaphore_mem>>)
      %dma_wait3A = arith.constant 0 : i32
      %dma_wait3A_19 = tpu.memref_slice %arg7[%arg0, %mul3A_14, %dma_wait3A] : memref<2x10240x128xf32, #tpu.memory_space<hbm>> -> memref<1x640x128xf32, #tpu.memory_space<hbm>>
      %dma_wait3A_20 = tpu.memref_squeeze %dma_wait3A_19 : memref<1x640x128xf32, #tpu.memory_space<hbm>> -> memref<640x128xf32, #tpu.memory_space<hbm>>
      %dma_wait3A_21 = arith.constant 0 : i32
      %dma_wait3A_22 = tpu.memref_slice %arg8[%mul3A_12, %dma_wait3A_21] : memref<10240x128xf32, #tpu.memory_space<vmem_shared>> -> memref<640x128xf32, #tpu.memory_space<vmem_shared>>
      tpu.wait_dma2 semaphore(%run_scoped3A : memref<!tpu.dma_semaphore, #tpu.memory_space<semaphore_mem>>) src(%dma_wait3A_22 : memref<640x128xf32, #tpu.memory_space<vmem_shared>>) dst(%dma_wait3A_20 : memref<640x128xf32, #tpu.memory_space<hbm>>)
      tpu.yield
    }) : () -> ()
    return
  }
}

#map = affine_map<(d0, d1) -> (0, 0, 0, 0, 0)>
#map1 = affine_map<(d0, d1) -> (0, 0)>
#map2 = affine_map<(d0, d1) -> (0, 0, 0, 0)>
#map3 = affine_map<(d0, d1) -> (0, 0, 0)>
module attributes {stable_mosaic.version = 14 : i64} {
  func.func @_sc_deg(%arg0: i32, %arg1: i32, %arg2: memref<2x16x80x125x16xf32, #tpu.memory_space<hbm>>, %arg3: memref<10240x16xf32, #tpu.memory_space<hbm>>, %arg4: memref<2x16x80x125xi32, #tpu.memory_space<hbm>>, %arg5: memref<2x10240x16xf32, #tpu.memory_space<hbm>>, %arg6: memref<10240x16xf32, #tpu.memory_space<vmem_shared>>, %arg7: memref<80x125xi32, #tpu.memory_space<vmem>>, %arg8: memref<125x16xf32, #tpu.memory_space<vmem>>) attributes {dimension_semantics = [#tpu.dimension_semantics<core_parallel>, #tpu.dimension_semantics<subcore_parallel>], iteration_bounds = array<i64: 2, 16>, scalar_prefetch = 0 : i64, scratch_operands = 3 : i64, tpu.core_type = #tpu.core_type<sc_vector_subcore>, window_params = [{transform_indices = #map}, {transform_indices = #map1}, {transform_indices = #map2}, {transform_indices = #map3}]} {
    %mul3A = arith.constant 640 : i32
    %mul3A_0 = arith.muli %arg1, %mul3A : i32
    %mul3A_1 = arith.constant 640 : i32
    %mul3A_2 = arith.muli %arg1, %mul3A_1 : i32
    "tpu.region"() ({
      %run_scoped3A = tpu.sem_alloc : memref<!tpu.dma_semaphore, #tpu.memory_space<semaphore_mem>>
      %dma_start3A = arith.constant 0 : i32
      %dma_start3A_13 = tpu.memref_slice %arg6[%mul3A_2, %dma_start3A] : memref<10240x16xf32, #tpu.memory_space<vmem_shared>> -> memref<640x16xf32, #tpu.memory_space<vmem_shared>>
      %dma_start3A_14 = arith.constant 0 : i32
      %dma_start3A_15 = tpu.memref_slice %arg3[%mul3A_0, %dma_start3A_14] : memref<10240x16xf32, #tpu.memory_space<hbm>> -> memref<640x16xf32, #tpu.memory_space<hbm>>
      tpu.enqueue_dma source(%dma_start3A_15 : memref<640x16xf32, #tpu.memory_space<hbm>>) target(%dma_start3A_13 : memref<640x16xf32, #tpu.memory_space<vmem_shared>>) target_semaphore(%run_scoped3A : memref<!tpu.dma_semaphore, #tpu.memory_space<semaphore_mem>>)
      %dma_wait3A = arith.constant 0 : i32
      %dma_wait3A_16 = tpu.memref_slice %arg6[%mul3A_2, %dma_wait3A] : memref<10240x16xf32, #tpu.memory_space<vmem_shared>> -> memref<640x16xf32, #tpu.memory_space<vmem_shared>>
      %dma_wait3A_17 = arith.constant 0 : i32
      %dma_wait3A_18 = tpu.memref_slice %arg3[%mul3A_0, %dma_wait3A_17] : memref<10240x16xf32, #tpu.memory_space<hbm>> -> memref<640x16xf32, #tpu.memory_space<hbm>>
      tpu.wait_dma2 semaphore(%run_scoped3A : memref<!tpu.dma_semaphore, #tpu.memory_space<semaphore_mem>>) src(%dma_wait3A_18 : memref<640x16xf32, #tpu.memory_space<hbm>>) dst(%dma_wait3A_16 : memref<640x16xf32, #tpu.memory_space<vmem_shared>>)
      tpu.yield
    }) : () -> ()
    "tpu.region"() ({
      %run_scoped3A = tpu.sem_alloc : memref<!tpu.dma_semaphore, #tpu.memory_space<semaphore_mem>>
      %dma_start3A = arith.constant 0 : i32
      %dma_start3A_13 = arith.constant 0 : i32
      %dma_start3A_14 = tpu.memref_slice %arg4[%arg0, %arg1, %dma_start3A, %dma_start3A_13] : memref<2x16x80x125xi32, #tpu.memory_space<hbm>> -> memref<1x1x80x125xi32, #tpu.memory_space<hbm>>
      %dma_start3A_15 = tpu.memref_squeeze %dma_start3A_14 : memref<1x1x80x125xi32, #tpu.memory_space<hbm>> -> memref<80x125xi32, #tpu.memory_space<hbm>>
      %dma_start3A_16 = arith.constant 0 : i32
      %dma_start3A_17 = arith.constant 0 : i32
      %dma_start3A_18 = tpu.memref_slice %arg4[%arg0, %arg1, %dma_start3A_16, %dma_start3A_17] : memref<2x16x80x125xi32, #tpu.memory_space<hbm>> -> memref<1x1x80x125xi32, #tpu.memory_space<hbm>>
      %dma_start3A_19 = tpu.memref_squeeze %dma_start3A_18 : memref<1x1x80x125xi32, #tpu.memory_space<hbm>> -> memref<80x125xi32, #tpu.memory_space<hbm>>
      tpu.enqueue_dma source(%dma_start3A_19 : memref<80x125xi32, #tpu.memory_space<hbm>>) target(%arg7 : memref<80x125xi32, #tpu.memory_space<vmem>>) target_semaphore(%run_scoped3A : memref<!tpu.dma_semaphore, #tpu.memory_space<semaphore_mem>>)
      %dma_wait3A = arith.constant 0 : i32
      %dma_wait3A_20 = arith.constant 0 : i32
      %dma_wait3A_21 = tpu.memref_slice %arg4[%arg0, %arg1, %dma_wait3A, %dma_wait3A_20] : memref<2x16x80x125xi32, #tpu.memory_space<hbm>> -> memref<1x1x80x125xi32, #tpu.memory_space<hbm>>
      %dma_wait3A_22 = tpu.memref_squeeze %dma_wait3A_21 : memref<1x1x80x125xi32, #tpu.memory_space<hbm>> -> memref<80x125xi32, #tpu.memory_space<hbm>>
      %dma_wait3A_23 = arith.constant 0 : i32
      %dma_wait3A_24 = arith.constant 0 : i32
      %dma_wait3A_25 = tpu.memref_slice %arg4[%arg0, %arg1, %dma_wait3A_23, %dma_wait3A_24] : memref<2x16x80x125xi32, #tpu.memory_space<hbm>> -> memref<1x1x80x125xi32, #tpu.memory_space<hbm>>
      %dma_wait3A_26 = tpu.memref_squeeze %dma_wait3A_25 : memref<1x1x80x125xi32, #tpu.memory_space<hbm>> -> memref<80x125xi32, #tpu.memory_space<hbm>>
      tpu.wait_dma2 semaphore(%run_scoped3A : memref<!tpu.dma_semaphore, #tpu.memory_space<semaphore_mem>>) src(%dma_wait3A_26 : memref<80x125xi32, #tpu.memory_space<hbm>>) dst(%arg7 : memref<80x125xi32, #tpu.memory_space<vmem>>)
      tpu.yield
    }) : () -> ()
    %barrier3A = arith.constant 0 : index
    tpu.barrier barrier_id(%barrier3A)
    %scan3A = arith.constant 0 : i32
    %scan3A_3 = arith.constant 0 : i32
    %scan3A_4 = arith.constant 80 : i32
    %scan3A_5 = arith.addi %scan3A_3, %scan3A_4 : i32
    %scan3A_6 = arith.constant 1 : i32
    scf.for %scan3A_13 = %scan3A_3 to %scan3A_5 step %scan3A_6  : i32 {
      "tpu.region"() ({
        %run_scoped3A = tpu.sem_alloc : memref<!tpu.dma_semaphore, #tpu.memory_space<semaphore_mem>>
        %dma_start3A = arith.constant 0 : i32
        %dma_start3A_14 = arith.constant 0 : i32
        %dma_start3A_15 = tpu.memref_slice %arg2[%arg0, %arg1, %scan3A_13, %dma_start3A, %dma_start3A_14] : memref<2x16x80x125x16xf32, #tpu.memory_space<hbm>> -> memref<1x1x1x125x16xf32, #tpu.memory_space<hbm>>
        %dma_start3A_16 = tpu.memref_squeeze %dma_start3A_15 : memref<1x1x1x125x16xf32, #tpu.memory_space<hbm>> -> memref<125x16xf32, #tpu.memory_space<hbm>>
        %dma_start3A_17 = arith.constant 0 : i32
        %dma_start3A_18 = arith.constant 0 : i32
        %dma_start3A_19 = tpu.memref_slice %arg2[%arg0, %arg1, %scan3A_13, %dma_start3A_17, %dma_start3A_18] : memref<2x16x80x125x16xf32, #tpu.memory_space<hbm>> -> memref<1x1x1x125x16xf32, #tpu.memory_space<hbm>>
        %dma_start3A_20 = tpu.memref_squeeze %dma_start3A_19 : memref<1x1x1x125x16xf32, #tpu.memory_space<hbm>> -> memref<125x16xf32, #tpu.memory_space<hbm>>
        tpu.enqueue_dma source(%dma_start3A_20 : memref<125x16xf32, #tpu.memory_space<hbm>>) target(%arg8 : memref<125x16xf32, #tpu.memory_space<vmem>>) target_semaphore(%run_scoped3A : memref<!tpu.dma_semaphore, #tpu.memory_space<semaphore_mem>>)
        %dma_wait3A = arith.constant 0 : i32
        %dma_wait3A_21 = arith.constant 0 : i32
        %dma_wait3A_22 = tpu.memref_slice %arg2[%arg0, %arg1, %scan3A_13, %dma_wait3A, %dma_wait3A_21] : memref<2x16x80x125x16xf32, #tpu.memory_space<hbm>> -> memref<1x1x1x125x16xf32, #tpu.memory_space<hbm>>
        %dma_wait3A_23 = tpu.memref_squeeze %dma_wait3A_22 : memref<1x1x1x125x16xf32, #tpu.memory_space<hbm>> -> memref<125x16xf32, #tpu.memory_space<hbm>>
        %dma_wait3A_24 = arith.constant 0 : i32
        %dma_wait3A_25 = arith.constant 0 : i32
        %dma_wait3A_26 = tpu.memref_slice %arg2[%arg0, %arg1, %scan3A_13, %dma_wait3A_24, %dma_wait3A_25] : memref<2x16x80x125x16xf32, #tpu.memory_space<hbm>> -> memref<1x1x1x125x16xf32, #tpu.memory_space<hbm>>
        %dma_wait3A_27 = tpu.memref_squeeze %dma_wait3A_26 : memref<1x1x1x125x16xf32, #tpu.memory_space<hbm>> -> memref<125x16xf32, #tpu.memory_space<hbm>>
        tpu.wait_dma2 semaphore(%run_scoped3A : memref<!tpu.dma_semaphore, #tpu.memory_space<semaphore_mem>>) src(%dma_wait3A_27 : memref<125x16xf32, #tpu.memory_space<hbm>>) dst(%arg8 : memref<125x16xf32, #tpu.memory_space<vmem>>)
        tpu.yield
      }) : () -> ()
      "tpu.region"() ({
        %run_scoped3A = tpu.sem_alloc : memref<!tpu.dma_semaphore, #tpu.memory_space<semaphore_mem>>
        %dma_start3A = arith.constant 0 : i32
        %dma_start3A_14 = tpu.memref_slice %arg7[%scan3A_13, %dma_start3A] : memref<80x125xi32, #tpu.memory_space<vmem>> -> memref<1x125xi32, #tpu.memory_space<vmem>>
        %dma_start3A_15 = tpu.memref_squeeze %dma_start3A_14 : memref<1x125xi32, #tpu.memory_space<vmem>> -> memref<125xi32, #tpu.memory_space<vmem>>
        %dma_start3A_16 = arith.constant 0 : i32
        %dma_start3A_17 = arith.constant 0 : i32
        %dma_start3A_18 = tpu.memref_slice %arg6[%dma_start3A_16, %dma_start3A_17] : memref<10240x16xf32, #tpu.memory_space<vmem_shared>> -> memref<10240x16xf32, #tpu.memory_space<vmem_shared>>
        tpu.enqueue_indirect_dma source(%arg8 : memref<125x16xf32, #tpu.memory_space<vmem>>) target(%dma_start3A_18 : memref<10240x16xf32, #tpu.memory_space<vmem_shared>>) offsets(%dma_start3A_15 : memref<125xi32, #tpu.memory_space<vmem>>) semaphore(%run_scoped3A : memref<!tpu.dma_semaphore, #tpu.memory_space<semaphore_mem>>) {add = true}
        %dma_wait3A = arith.constant 0 : i32
        %dma_wait3A_19 = tpu.memref_slice %arg7[%scan3A_13, %dma_wait3A] : memref<80x125xi32, #tpu.memory_space<vmem>> -> memref<1x125xi32, #tpu.memory_space<vmem>>
        %dma_wait3A_20 = tpu.memref_squeeze %dma_wait3A_19 : memref<1x125xi32, #tpu.memory_space<vmem>> -> memref<125xi32, #tpu.memory_space<vmem>>
        %dma_wait3A_21 = arith.constant 0 : i32
        %dma_wait3A_22 = arith.constant 0 : i32
        %dma_wait3A_23 = tpu.memref_slice %arg6[%dma_wait3A_21, %dma_wait3A_22] : memref<10240x16xf32, #tpu.memory_space<vmem_shared>> -> memref<10240x16xf32, #tpu.memory_space<vmem_shared>>
        tpu.wait_indirect_dma semaphore(%run_scoped3A : memref<!tpu.dma_semaphore, #tpu.memory_space<semaphore_mem>>) src(%arg8 : memref<125x16xf32, #tpu.memory_space<vmem>>) dst(%dma_wait3A_23 : memref<10240x16xf32, #tpu.memory_space<vmem_shared>>)
        tpu.yield
      }) : () -> ()
    }
    %scan3A_7 = arith.constant 80 : i32
    %barrier3A_8 = arith.constant 0 : index
    tpu.barrier barrier_id(%barrier3A_8)
    %mul3A_9 = arith.constant 640 : i32
    %mul3A_10 = arith.muli %arg1, %mul3A_9 : i32
    %mul3A_11 = arith.constant 640 : i32
    %mul3A_12 = arith.muli %arg1, %mul3A_11 : i32
    "tpu.region"() ({
      %run_scoped3A = tpu.sem_alloc : memref<!tpu.dma_semaphore, #tpu.memory_space<semaphore_mem>>
      %dma_start3A = arith.constant 0 : i32
      %dma_start3A_13 = tpu.memref_slice %arg5[%arg0, %mul3A_12, %dma_start3A] : memref<2x10240x16xf32, #tpu.memory_space<hbm>> -> memref<1x640x16xf32, #tpu.memory_space<hbm>>
      %dma_start3A_14 = tpu.memref_squeeze %dma_start3A_13 : memref<1x640x16xf32, #tpu.memory_space<hbm>> -> memref<640x16xf32, #tpu.memory_space<hbm>>
      %dma_start3A_15 = arith.constant 0 : i32
      %dma_start3A_16 = tpu.memref_slice %arg6[%mul3A_10, %dma_start3A_15] : memref<10240x16xf32, #tpu.memory_space<vmem_shared>> -> memref<640x16xf32, #tpu.memory_space<vmem_shared>>
      tpu.enqueue_dma source(%dma_start3A_16 : memref<640x16xf32, #tpu.memory_space<vmem_shared>>) target(%dma_start3A_14 : memref<640x16xf32, #tpu.memory_space<hbm>>) target_semaphore(%run_scoped3A : memref<!tpu.dma_semaphore, #tpu.memory_space<semaphore_mem>>)
      %dma_wait3A = arith.constant 0 : i32
      %dma_wait3A_17 = tpu.memref_slice %arg5[%arg0, %mul3A_12, %dma_wait3A] : memref<2x10240x16xf32, #tpu.memory_space<hbm>> -> memref<1x640x16xf32, #tpu.memory_space<hbm>>
      %dma_wait3A_18 = tpu.memref_squeeze %dma_wait3A_17 : memref<1x640x16xf32, #tpu.memory_space<hbm>> -> memref<640x16xf32, #tpu.memory_space<hbm>>
      %dma_wait3A_19 = arith.constant 0 : i32
      %dma_wait3A_20 = tpu.memref_slice %arg6[%mul3A_10, %dma_wait3A_19] : memref<10240x16xf32, #tpu.memory_space<vmem_shared>> -> memref<640x16xf32, #tpu.memory_space<vmem_shared>>
      tpu.wait_dma2 semaphore(%run_scoped3A : memref<!tpu.dma_semaphore, #tpu.memory_space<semaphore_mem>>) src(%dma_wait3A_20 : memref<640x16xf32, #tpu.memory_space<vmem_shared>>) dst(%dma_wait3A_18 : memref<640x16xf32, #tpu.memory_space<hbm>>)
      tpu.yield
    }) : () -> ()
    return
  }
}

#map = affine_map<(d0, d1) -> (0, 0)>
#map1 = affine_map<(d0, d1) -> (0, 0, 0, 0)>
#map2 = affine_map<(d0, d1) -> (0, 0, 0, 0, 0)>
#map3 = affine_map<(d0, d1) -> (0, 0, 0)>
module attributes {stable_mosaic.version = 14 : i64} {
  func.func @_sc_agg(%arg0: i32, %arg1: i32, %arg2: memref<10240x128xf32, #tpu.memory_space<hbm>>, %arg3: memref<10240x128xf32, #tpu.memory_space<hbm>>, %arg4: memref<2x16x80x125xi32, #tpu.memory_space<hbm>>, %arg5: memref<2x16x80x125xi32, #tpu.memory_space<hbm>>, %arg6: memref<2x16x80x125x16xf32, #tpu.memory_space<hbm>>, %arg7: memref<2x10240x128xf32, #tpu.memory_space<hbm>>, %arg8: memref<10240x128xf32, #tpu.memory_space<vmem_shared>>, %arg9: memref<80x125xi32, #tpu.memory_space<vmem>>, %arg10: memref<80x125xi32, #tpu.memory_space<vmem>>, %arg11: memref<125x16xf32, #tpu.memory_space<vmem>>, %arg12: memref<125x128xf32, #tpu.memory_space<vmem>>, %arg13: memref<!tpu.dma_semaphore, #tpu.memory_space<semaphore_mem>>) attributes {dimension_semantics = [#tpu.dimension_semantics<core_parallel>, #tpu.dimension_semantics<subcore_parallel>], iteration_bounds = array<i64: 2, 16>, scalar_prefetch = 0 : i64, scratch_operands = 6 : i64, tpu.core_type = #tpu.core_type<sc_vector_subcore>, window_params = [{transform_indices = #map}, {transform_indices = #map}, {transform_indices = #map1}, {transform_indices = #map1}, {transform_indices = #map2}, {transform_indices = #map3}]} {
    %eq3A = arith.constant 0 : i32
    %eq3A_0 = arith.cmpi eq, %arg0, %eq3A : i32
    %convert_element_type3A = arith.extui %eq3A_0 : i1 to i32
    %cond3A = arith.constant 0 : i32
    %cond3A_1 = arith.cmpi ne, %convert_element_type3A, %cond3A : i32
    scf.if %cond3A_1 {
      %mul3A_15 = arith.constant 640 : i32
      %mul3A_16 = arith.muli %arg1, %mul3A_15 : i32
      %mul3A_17 = arith.constant 640 : i32
      %mul3A_18 = arith.muli %arg1, %mul3A_17 : i32
      "tpu.region"() ({
        %run_scoped3A = tpu.sem_alloc : memref<!tpu.dma_semaphore, #tpu.memory_space<semaphore_mem>>
        %dma_start3A = arith.constant 0 : i32
        %dma_start3A_19 = tpu.memref_slice %arg8[%mul3A_18, %dma_start3A] : memref<10240x128xf32, #tpu.memory_space<vmem_shared>> -> memref<640x128xf32, #tpu.memory_space<vmem_shared>>
        %dma_start3A_20 = arith.constant 0 : i32
        %dma_start3A_21 = tpu.memref_slice %arg2[%mul3A_16, %dma_start3A_20] : memref<10240x128xf32, #tpu.memory_space<hbm>> -> memref<640x128xf32, #tpu.memory_space<hbm>>
        tpu.enqueue_dma source(%dma_start3A_21 : memref<640x128xf32, #tpu.memory_space<hbm>>) target(%dma_start3A_19 : memref<640x128xf32, #tpu.memory_space<vmem_shared>>) target_semaphore(%run_scoped3A : memref<!tpu.dma_semaphore, #tpu.memory_space<semaphore_mem>>)
        %dma_wait3A = arith.constant 0 : i32
        %dma_wait3A_22 = tpu.memref_slice %arg8[%mul3A_18, %dma_wait3A] : memref<10240x128xf32, #tpu.memory_space<vmem_shared>> -> memref<640x128xf32, #tpu.memory_space<vmem_shared>>
        %dma_wait3A_23 = arith.constant 0 : i32
        %dma_wait3A_24 = tpu.memref_slice %arg2[%mul3A_16, %dma_wait3A_23] : memref<10240x128xf32, #tpu.memory_space<hbm>> -> memref<640x128xf32, #tpu.memory_space<hbm>>
        tpu.wait_dma2 semaphore(%run_scoped3A : memref<!tpu.dma_semaphore, #tpu.memory_space<semaphore_mem>>) src(%dma_wait3A_24 : memref<640x128xf32, #tpu.memory_space<hbm>>) dst(%dma_wait3A_22 : memref<640x128xf32, #tpu.memory_space<vmem_shared>>)
        tpu.yield
      }) : () -> ()
    } else {
    }
    %ne3A = arith.constant 0 : i32
    %ne3A_2 = arith.cmpi ne, %arg0, %ne3A : i32
    %convert_element_type3A_3 = arith.extui %ne3A_2 : i1 to i32
    %cond3A_4 = arith.constant 0 : i32
    %cond3A_5 = arith.cmpi ne, %convert_element_type3A_3, %cond3A_4 : i32
    scf.if %cond3A_5 {
      %mul3A_15 = arith.constant 640 : i32
      %mul3A_16 = arith.muli %arg1, %mul3A_15 : i32
      %mul3A_17 = arith.constant 640 : i32
      %mul3A_18 = arith.muli %arg1, %mul3A_17 : i32
      "tpu.region"() ({
        %run_scoped3A = tpu.sem_alloc : memref<!tpu.dma_semaphore, #tpu.memory_space<semaphore_mem>>
        %dma_start3A = arith.constant 0 : i32
        %dma_start3A_19 = tpu.memref_slice %arg8[%mul3A_18, %dma_start3A] : memref<10240x128xf32, #tpu.memory_space<vmem_shared>> -> memref<640x128xf32, #tpu.memory_space<vmem_shared>>
        %dma_start3A_20 = arith.constant 0 : i32
        %dma_start3A_21 = tpu.memref_slice %arg3[%mul3A_16, %dma_start3A_20] : memref<10240x128xf32, #tpu.memory_space<hbm>> -> memref<640x128xf32, #tpu.memory_space<hbm>>
        tpu.enqueue_dma source(%dma_start3A_21 : memref<640x128xf32, #tpu.memory_space<hbm>>) target(%dma_start3A_19 : memref<640x128xf32, #tpu.memory_space<vmem_shared>>) target_semaphore(%run_scoped3A : memref<!tpu.dma_semaphore, #tpu.memory_space<semaphore_mem>>)
        %dma_wait3A = arith.constant 0 : i32
        %dma_wait3A_22 = tpu.memref_slice %arg8[%mul3A_18, %dma_wait3A] : memref<10240x128xf32, #tpu.memory_space<vmem_shared>> -> memref<640x128xf32, #tpu.memory_space<vmem_shared>>
        %dma_wait3A_23 = arith.constant 0 : i32
        %dma_wait3A_24 = tpu.memref_slice %arg3[%mul3A_16, %dma_wait3A_23] : memref<10240x128xf32, #tpu.memory_space<hbm>> -> memref<640x128xf32, #tpu.memory_space<hbm>>
        tpu.wait_dma2 semaphore(%run_scoped3A : memref<!tpu.dma_semaphore, #tpu.memory_space<semaphore_mem>>) src(%dma_wait3A_24 : memref<640x128xf32, #tpu.memory_space<hbm>>) dst(%dma_wait3A_22 : memref<640x128xf32, #tpu.memory_space<vmem_shared>>)
        tpu.yield
      }) : () -> ()
    } else {
    }
    "tpu.region"() ({
      %run_scoped3A = tpu.sem_alloc : memref<!tpu.dma_semaphore, #tpu.memory_space<semaphore_mem>>
      %dma_start3A = arith.constant 0 : i32
      %dma_start3A_15 = arith.constant 0 : i32
      %dma_start3A_16 = tpu.memref_slice %arg4[%arg0, %arg1, %dma_start3A, %dma_start3A_15] : memref<2x16x80x125xi32, #tpu.memory_space<hbm>> -> memref<1x1x80x125xi32, #tpu.memory_space<hbm>>
      %dma_start3A_17 = tpu.memref_squeeze %dma_start3A_16 : memref<1x1x80x125xi32, #tpu.memory_space<hbm>> -> memref<80x125xi32, #tpu.memory_space<hbm>>
      %dma_start3A_18 = arith.constant 0 : i32
      %dma_start3A_19 = arith.constant 0 : i32
      %dma_start3A_20 = tpu.memref_slice %arg4[%arg0, %arg1, %dma_start3A_18, %dma_start3A_19] : memref<2x16x80x125xi32, #tpu.memory_space<hbm>> -> memref<1x1x80x125xi32, #tpu.memory_space<hbm>>
      %dma_start3A_21 = tpu.memref_squeeze %dma_start3A_20 : memref<1x1x80x125xi32, #tpu.memory_space<hbm>> -> memref<80x125xi32, #tpu.memory_space<hbm>>
      tpu.enqueue_dma source(%dma_start3A_21 : memref<80x125xi32, #tpu.memory_space<hbm>>) target(%arg9 : memref<80x125xi32, #tpu.memory_space<vmem>>) target_semaphore(%run_scoped3A : memref<!tpu.dma_semaphore, #tpu.memory_space<semaphore_mem>>)
      %dma_wait3A = arith.constant 0 : i32
      %dma_wait3A_22 = arith.constant 0 : i32
      %dma_wait3A_23 = tpu.memref_slice %arg4[%arg0, %arg1, %dma_wait3A, %dma_wait3A_22] : memref<2x16x80x125xi32, #tpu.memory_space<hbm>> -> memref<1x1x80x125xi32, #tpu.memory_space<hbm>>
      %dma_wait3A_24 = tpu.memref_squeeze %dma_wait3A_23 : memref<1x1x80x125xi32, #tpu.memory_space<hbm>> -> memref<80x125xi32, #tpu.memory_space<hbm>>
      %dma_wait3A_25 = arith.constant 0 : i32
      %dma_wait3A_26 = arith.constant 0 : i32
      %dma_wait3A_27 = tpu.memref_slice %arg4[%arg0, %arg1, %dma_wait3A_25, %dma_wait3A_26] : memref<2x16x80x125xi32, #tpu.memory_space<hbm>> -> memref<1x1x80x125xi32, #tpu.memory_space<hbm>>
      %dma_wait3A_28 = tpu.memref_squeeze %dma_wait3A_27 : memref<1x1x80x125xi32, #tpu.memory_space<hbm>> -> memref<80x125xi32, #tpu.memory_space<hbm>>
      tpu.wait_dma2 semaphore(%run_scoped3A : memref<!tpu.dma_semaphore, #tpu.memory_space<semaphore_mem>>) src(%dma_wait3A_28 : memref<80x125xi32, #tpu.memory_space<hbm>>) dst(%arg9 : memref<80x125xi32, #tpu.memory_space<vmem>>)
      tpu.yield
    }) : () -> ()
    "tpu.region"() ({
      %run_scoped3A = tpu.sem_alloc : memref<!tpu.dma_semaphore, #tpu.memory_space<semaphore_mem>>
      %dma_start3A = arith.constant 0 : i32
      %dma_start3A_15 = arith.constant 0 : i32
      %dma_start3A_16 = tpu.memref_slice %arg5[%arg0, %arg1, %dma_start3A, %dma_start3A_15] : memref<2x16x80x125xi32, #tpu.memory_space<hbm>> -> memref<1x1x80x125xi32, #tpu.memory_space<hbm>>
      %dma_start3A_17 = tpu.memref_squeeze %dma_start3A_16 : memref<1x1x80x125xi32, #tpu.memory_space<hbm>> -> memref<80x125xi32, #tpu.memory_space<hbm>>
      %dma_start3A_18 = arith.constant 0 : i32
      %dma_start3A_19 = arith.constant 0 : i32
      %dma_start3A_20 = tpu.memref_slice %arg5[%arg0, %arg1, %dma_start3A_18, %dma_start3A_19] : memref<2x16x80x125xi32, #tpu.memory_space<hbm>> -> memref<1x1x80x125xi32, #tpu.memory_space<hbm>>
      %dma_start3A_21 = tpu.memref_squeeze %dma_start3A_20 : memref<1x1x80x125xi32, #tpu.memory_space<hbm>> -> memref<80x125xi32, #tpu.memory_space<hbm>>
      tpu.enqueue_dma source(%dma_start3A_21 : memref<80x125xi32, #tpu.memory_space<hbm>>) target(%arg10 : memref<80x125xi32, #tpu.memory_space<vmem>>) target_semaphore(%run_scoped3A : memref<!tpu.dma_semaphore, #tpu.memory_space<semaphore_mem>>)
      %dma_wait3A = arith.constant 0 : i32
      %dma_wait3A_22 = arith.constant 0 : i32
      %dma_wait3A_23 = tpu.memref_slice %arg5[%arg0, %arg1, %dma_wait3A, %dma_wait3A_22] : memref<2x16x80x125xi32, #tpu.memory_space<hbm>> -> memref<1x1x80x125xi32, #tpu.memory_space<hbm>>
      %dma_wait3A_24 = tpu.memref_squeeze %dma_wait3A_23 : memref<1x1x80x125xi32, #tpu.memory_space<hbm>> -> memref<80x125xi32, #tpu.memory_space<hbm>>
      %dma_wait3A_25 = arith.constant 0 : i32
      %dma_wait3A_26 = arith.constant 0 : i32
      %dma_wait3A_27 = tpu.memref_slice %arg5[%arg0, %arg1, %dma_wait3A_25, %dma_wait3A_26] : memref<2x16x80x125xi32, #tpu.memory_space<hbm>> -> memref<1x1x80x125xi32, #tpu.memory_space<hbm>>
      %dma_wait3A_28 = tpu.memref_squeeze %dma_wait3A_27 : memref<1x1x80x125xi32, #tpu.memory_space<hbm>> -> memref<80x125xi32, #tpu.memory_space<hbm>>
      tpu.wait_dma2 semaphore(%run_scoped3A : memref<!tpu.dma_semaphore, #tpu.memory_space<semaphore_mem>>) src(%dma_wait3A_28 : memref<80x125xi32, #tpu.memory_space<hbm>>) dst(%arg10 : memref<80x125xi32, #tpu.memory_space<vmem>>)
      tpu.yield
    }) : () -> ()
    %barrier3A = arith.constant 0 : index
    tpu.barrier barrier_id(%barrier3A)
    %scan3A = arith.constant 0 : i32
    %scan3A_6 = arith.constant 0 : i32
    %scan3A_7 = arith.constant 80 : i32
    %scan3A_8 = arith.addi %scan3A_6, %scan3A_7 : i32
    %scan3A_9 = arith.constant 1 : i32
    scf.for %scan3A_15 = %scan3A_6 to %scan3A_8 step %scan3A_9  : i32 {
      "tpu.region"() ({
        %run_scoped3A = tpu.sem_alloc : memref<!tpu.dma_semaphore, #tpu.memory_space<semaphore_mem>>
        %dma_start3A_32 = arith.constant 0 : i32
        %dma_start3A_33 = arith.constant 0 : i32
        %dma_start3A_34 = tpu.memref_slice %arg6[%arg0, %arg1, %scan3A_15, %dma_start3A_32, %dma_start3A_33] : memref<2x16x80x125x16xf32, #tpu.memory_space<hbm>> -> memref<1x1x1x125x16xf32, #tpu.memory_space<hbm>>
        %dma_start3A_35 = tpu.memref_squeeze %dma_start3A_34 : memref<1x1x1x125x16xf32, #tpu.memory_space<hbm>> -> memref<125x16xf32, #tpu.memory_space<hbm>>
        %dma_start3A_36 = arith.constant 0 : i32
        %dma_start3A_37 = arith.constant 0 : i32
        %dma_start3A_38 = tpu.memref_slice %arg6[%arg0, %arg1, %scan3A_15, %dma_start3A_36, %dma_start3A_37] : memref<2x16x80x125x16xf32, #tpu.memory_space<hbm>> -> memref<1x1x1x125x16xf32, #tpu.memory_space<hbm>>
        %dma_start3A_39 = tpu.memref_squeeze %dma_start3A_38 : memref<1x1x1x125x16xf32, #tpu.memory_space<hbm>> -> memref<125x16xf32, #tpu.memory_space<hbm>>
        tpu.enqueue_dma source(%dma_start3A_39 : memref<125x16xf32, #tpu.memory_space<hbm>>) target(%arg11 : memref<125x16xf32, #tpu.memory_space<vmem>>) target_semaphore(%run_scoped3A : memref<!tpu.dma_semaphore, #tpu.memory_space<semaphore_mem>>)
        %dma_wait3A_40 = arith.constant 0 : i32
        %dma_wait3A_41 = arith.constant 0 : i32
        %dma_wait3A_42 = tpu.memref_slice %arg6[%arg0, %arg1, %scan3A_15, %dma_wait3A_40, %dma_wait3A_41] : memref<2x16x80x125x16xf32, #tpu.memory_space<hbm>> -> memref<1x1x1x125x16xf32, #tpu.memory_space<hbm>>
        %dma_wait3A_43 = tpu.memref_squeeze %dma_wait3A_42 : memref<1x1x1x125x16xf32, #tpu.memory_space<hbm>> -> memref<125x16xf32, #tpu.memory_space<hbm>>
        %dma_wait3A_44 = arith.constant 0 : i32
        %dma_wait3A_45 = arith.constant 0 : i32
        %dma_wait3A_46 = tpu.memref_slice %arg6[%arg0, %arg1, %scan3A_15, %dma_wait3A_44, %dma_wait3A_45] : memref<2x16x80x125x16xf32, #tpu.memory_space<hbm>> -> memref<1x1x1x125x16xf32, #tpu.memory_space<hbm>>
        %dma_wait3A_47 = tpu.memref_squeeze %dma_wait3A_46 : memref<1x1x1x125x16xf32, #tpu.memory_space<hbm>> -> memref<125x16xf32, #tpu.memory_space<hbm>>
        tpu.wait_dma2 semaphore(%run_scoped3A : memref<!tpu.dma_semaphore, #tpu.memory_space<semaphore_mem>>) src(%dma_wait3A_47 : memref<125x16xf32, #tpu.memory_space<hbm>>) dst(%arg11 : memref<125x16xf32, #tpu.memory_space<vmem>>)
        tpu.yield
      }) : () -> ()
      %dma_start3A = arith.constant 0 : i32
      %dma_start3A_16 = tpu.memref_slice %arg9[%scan3A_15, %dma_start3A] : memref<80x125xi32, #tpu.memory_space<vmem>> -> memref<1x125xi32, #tpu.memory_space<vmem>>
      %dma_start3A_17 = tpu.memref_squeeze %dma_start3A_16 : memref<1x125xi32, #tpu.memory_space<vmem>> -> memref<125xi32, #tpu.memory_space<vmem>>
      %dma_start3A_18 = arith.constant 0 : i32
      %dma_start3A_19 = arith.constant 0 : i32
      %dma_start3A_20 = tpu.memref_slice %arg2[%dma_start3A_18, %dma_start3A_19] : memref<10240x128xf32, #tpu.memory_space<hbm>> -> memref<10240x128xf32, #tpu.memory_space<hbm>>
      tpu.enqueue_indirect_dma source(%dma_start3A_20 : memref<10240x128xf32, #tpu.memory_space<hbm>>) target(%arg12 : memref<125x128xf32, #tpu.memory_space<vmem>>) offsets(%dma_start3A_17 : memref<125xi32, #tpu.memory_space<vmem>>) semaphore(%arg13 : memref<!tpu.dma_semaphore, #tpu.memory_space<semaphore_mem>>)
      %dma_wait3A = arith.constant 0 : i32
      %dma_wait3A_21 = tpu.memref_slice %arg9[%scan3A_15, %dma_wait3A] : memref<80x125xi32, #tpu.memory_space<vmem>> -> memref<1x125xi32, #tpu.memory_space<vmem>>
      %dma_wait3A_22 = tpu.memref_squeeze %dma_wait3A_21 : memref<1x125xi32, #tpu.memory_space<vmem>> -> memref<125xi32, #tpu.memory_space<vmem>>
      %dma_wait3A_23 = arith.constant 0 : i32
      %dma_wait3A_24 = arith.constant 0 : i32
      %dma_wait3A_25 = tpu.memref_slice %arg2[%dma_wait3A_23, %dma_wait3A_24] : memref<10240x128xf32, #tpu.memory_space<hbm>> -> memref<10240x128xf32, #tpu.memory_space<hbm>>
      tpu.wait_indirect_dma semaphore(%arg13 : memref<!tpu.dma_semaphore, #tpu.memory_space<semaphore_mem>>) src(%dma_wait3A_25 : memref<10240x128xf32, #tpu.memory_space<hbm>>) dst(%arg12 : memref<125x128xf32, #tpu.memory_space<vmem>>)
      %scan3A_26 = arith.constant 0 : i32
      %scan3A_27 = arith.constant 0 : i32
      %scan3A_28 = arith.constant 125 : i32
      %scan3A_29 = arith.addi %scan3A_27, %scan3A_28 : i32
      %scan3A_30 = arith.constant 1 : i32
      scf.for %scan3A_32 = %scan3A_27 to %scan3A_29 step %scan3A_30  : i32 {
        %get3A = arith.index_cast %scan3A_32 : i32 to index
        %get3A_33 = arith.constant 0 : index
        %get3A_34 = tpu.vector_load %arg11[%get3A, %get3A_33] {strides = array<i32>} : memref<125x16xf32, #tpu.memory_space<vmem>>, vector<1x16xf32>,
        %get3A_35 = vector.shape_cast %get3A_34 : vector<1x16xf32> to vector<16xf32>
        %get3A_36 = arith.index_cast %scan3A_32 : i32 to index
        %get3A_37 = arith.constant 0 : index
        %get3A_38 = tpu.vector_load %arg12[%get3A_36, %get3A_37] {strides = array<i32>} : memref<125x128xf32, #tpu.memory_space<vmem>>, vector<1x16xf32>,
        %get3A_39 = vector.shape_cast %get3A_38 : vector<1x16xf32> to vector<16xf32>
        %mul3A_40 = arith.mulf %get3A_39, %get3A_35 : vector<16xf32>
        %swap3A = arith.index_cast %scan3A_32 : i32 to index
        %swap3A_41 = arith.constant 0 : index
        %swap3A_42 = tpu.vector_load %arg12[%swap3A, %swap3A_41] {strides = array<i32>} : memref<125x128xf32, #tpu.memory_space<vmem>>, vector<1x16xf32>,
        %swap3A_43 = vector.shape_cast %swap3A_42 : vector<1x16xf32> to vector<16xf32>
        %swap3A_44 = vector.shape_cast %mul3A_40 : vector<16xf32> to vector<1x16xf32>
        tpu.vector_store %arg12[%swap3A, %swap3A_41], %swap3A_44 {strides = array<i32>} : memref<125x128xf32, #tpu.memory_space<vmem>>, vector<1x16xf32>,
        %get3A_45 = arith.index_cast %scan3A_32 : i32 to index
        %get3A_46 = arith.constant 16 : index
        %get3A_47 = tpu.vector_load %arg12[%get3A_45, %get3A_46] {strides = array<i32>} : memref<125x128xf32, #tpu.memory_space<vmem>>, vector<1x16xf32>,
        %get3A_48 = vector.shape_cast %get3A_47 : vector<1x16xf32> to vector<16xf32>
        %mul3A_49 = arith.mulf %get3A_48, %get3A_35 : vector<16xf32>
        %swap3A_50 = arith.index_cast %scan3A_32 : i32 to index
        %swap3A_51 = arith.constant 16 : index
        %swap3A_52 = tpu.vector_load %arg12[%swap3A_50, %swap3A_51] {strides = array<i32>} : memref<125x128xf32, #tpu.memory_space<vmem>>, vector<1x16xf32>,
        %swap3A_53 = vector.shape_cast %swap3A_52 : vector<1x16xf32> to vector<16xf32>
        %swap3A_54 = vector.shape_cast %mul3A_49 : vector<16xf32> to vector<1x16xf32>
        tpu.vector_store %arg12[%swap3A_50, %swap3A_51], %swap3A_54 {strides = array<i32>} : memref<125x128xf32, #tpu.memory_space<vmem>>, vector<1x16xf32>,
        %get3A_55 = arith.index_cast %scan3A_32 : i32 to index
        %get3A_56 = arith.constant 32 : index
        %get3A_57 = tpu.vector_load %arg12[%get3A_55, %get3A_56] {strides = array<i32>} : memref<125x128xf32, #tpu.memory_space<vmem>>, vector<1x16xf32>,
        %get3A_58 = vector.shape_cast %get3A_57 : vector<1x16xf32> to vector<16xf32>
        %mul3A_59 = arith.mulf %get3A_58, %get3A_35 : vector<16xf32>
        %swap3A_60 = arith.index_cast %scan3A_32 : i32 to index
        %swap3A_61 = arith.constant 32 : index
        %swap3A_62 = tpu.vector_load %arg12[%swap3A_60, %swap3A_61] {strides = array<i32>} : memref<125x128xf32, #tpu.memory_space<vmem>>, vector<1x16xf32>,
        %swap3A_63 = vector.shape_cast %swap3A_62 : vector<1x16xf32> to vector<16xf32>
        %swap3A_64 = vector.shape_cast %mul3A_59 : vector<16xf32> to vector<1x16xf32>
        tpu.vector_store %arg12[%swap3A_60, %swap3A_61], %swap3A_64 {strides = array<i32>} : memref<125x128xf32, #tpu.memory_space<vmem>>, vector<1x16xf32>,
        %get3A_65 = arith.index_cast %scan3A_32 : i32 to index
        %get3A_66 = arith.constant 48 : index
        %get3A_67 = tpu.vector_load %arg12[%get3A_65, %get3A_66] {strides = array<i32>} : memref<125x128xf32, #tpu.memory_space<vmem>>, vector<1x16xf32>,
        %get3A_68 = vector.shape_cast %get3A_67 : vector<1x16xf32> to vector<16xf32>
        %mul3A_69 = arith.mulf %get3A_68, %get3A_35 : vector<16xf32>
        %swap3A_70 = arith.index_cast %scan3A_32 : i32 to index
        %swap3A_71 = arith.constant 48 : index
        %swap3A_72 = tpu.vector_load %arg12[%swap3A_70, %swap3A_71] {strides = array<i32>} : memref<125x128xf32, #tpu.memory_space<vmem>>, vector<1x16xf32>,
        %swap3A_73 = vector.shape_cast %swap3A_72 : vector<1x16xf32> to vector<16xf32>
        %swap3A_74 = vector.shape_cast %mul3A_69 : vector<16xf32> to vector<1x16xf32>
        tpu.vector_store %arg12[%swap3A_70, %swap3A_71], %swap3A_74 {strides = array<i32>} : memref<125x128xf32, #tpu.memory_space<vmem>>, vector<1x16xf32>,
        %get3A_75 = arith.index_cast %scan3A_32 : i32 to index
        %get3A_76 = arith.constant 64 : index
        %get3A_77 = tpu.vector_load %arg12[%get3A_75, %get3A_76] {strides = array<i32>} : memref<125x128xf32, #tpu.memory_space<vmem>>, vector<1x16xf32>,
        %get3A_78 = vector.shape_cast %get3A_77 : vector<1x16xf32> to vector<16xf32>
        %mul3A_79 = arith.mulf %get3A_78, %get3A_35 : vector<16xf32>
        %swap3A_80 = arith.index_cast %scan3A_32 : i32 to index
        %swap3A_81 = arith.constant 64 : index
        %swap3A_82 = tpu.vector_load %arg12[%swap3A_80, %swap3A_81] {strides = array<i32>} : memref<125x128xf32, #tpu.memory_space<vmem>>, vector<1x16xf32>,
        %swap3A_83 = vector.shape_cast %swap3A_82 : vector<1x16xf32> to vector<16xf32>
        %swap3A_84 = vector.shape_cast %mul3A_79 : vector<16xf32> to vector<1x16xf32>
        tpu.vector_store %arg12[%swap3A_80, %swap3A_81], %swap3A_84 {strides = array<i32>} : memref<125x128xf32, #tpu.memory_space<vmem>>, vector<1x16xf32>,
        %get3A_85 = arith.index_cast %scan3A_32 : i32 to index
        %get3A_86 = arith.constant 80 : index
        %get3A_87 = tpu.vector_load %arg12[%get3A_85, %get3A_86] {strides = array<i32>} : memref<125x128xf32, #tpu.memory_space<vmem>>, vector<1x16xf32>,
        %get3A_88 = vector.shape_cast %get3A_87 : vector<1x16xf32> to vector<16xf32>
        %mul3A_89 = arith.mulf %get3A_88, %get3A_35 : vector<16xf32>
        %swap3A_90 = arith.index_cast %scan3A_32 : i32 to index
        %swap3A_91 = arith.constant 80 : index
        %swap3A_92 = tpu.vector_load %arg12[%swap3A_90, %swap3A_91] {strides = array<i32>} : memref<125x128xf32, #tpu.memory_space<vmem>>, vector<1x16xf32>,
        %swap3A_93 = vector.shape_cast %swap3A_92 : vector<1x16xf32> to vector<16xf32>
        %swap3A_94 = vector.shape_cast %mul3A_89 : vector<16xf32> to vector<1x16xf32>
        tpu.vector_store %arg12[%swap3A_90, %swap3A_91], %swap3A_94 {strides = array<i32>} : memref<125x128xf32, #tpu.memory_space<vmem>>, vector<1x16xf32>,
        %get3A_95 = arith.index_cast %scan3A_32 : i32 to index
        %get3A_96 = arith.constant 96 : index
        %get3A_97 = tpu.vector_load %arg12[%get3A_95, %get3A_96] {strides = array<i32>} : memref<125x128xf32, #tpu.memory_space<vmem>>, vector<1x16xf32>,
        %get3A_98 = vector.shape_cast %get3A_97 : vector<1x16xf32> to vector<16xf32>
        %mul3A_99 = arith.mulf %get3A_98, %get3A_35 : vector<16xf32>
        %swap3A_100 = arith.index_cast %scan3A_32 : i32 to index
        %swap3A_101 = arith.constant 96 : index
        %swap3A_102 = tpu.vector_load %arg12[%swap3A_100, %swap3A_101] {strides = array<i32>} : memref<125x128xf32, #tpu.memory_space<vmem>>, vector<1x16xf32>,
        %swap3A_103 = vector.shape_cast %swap3A_102 : vector<1x16xf32> to vector<16xf32>
        %swap3A_104 = vector.shape_cast %mul3A_99 : vector<16xf32> to vector<1x16xf32>
        tpu.vector_store %arg12[%swap3A_100, %swap3A_101], %swap3A_104 {strides = array<i32>} : memref<125x128xf32, #tpu.memory_space<vmem>>, vector<1x16xf32>,
        %get3A_105 = arith.index_cast %scan3A_32 : i32 to index
        %get3A_106 = arith.constant 112 : index
        %get3A_107 = tpu.vector_load %arg12[%get3A_105, %get3A_106] {strides = array<i32>} : memref<125x128xf32, #tpu.memory_space<vmem>>, vector<1x16xf32>,
        %get3A_108 = vector.shape_cast %get3A_107 : vector<1x16xf32> to vector<16xf32>
        %mul3A_109 = arith.mulf %get3A_108, %get3A_35 : vector<16xf32>
        %swap3A_110 = arith.index_cast %scan3A_32 : i32 to index
        %swap3A_111 = arith.constant 112 : index
        %swap3A_112 = tpu.vector_load %arg12[%swap3A_110, %swap3A_111] {strides = array<i32>} : memref<125x128xf32, #tpu.memory_space<vmem>>, vector<1x16xf32>,
        %swap3A_113 = vector.shape_cast %swap3A_112 : vector<1x16xf32> to vector<16xf32>
        %swap3A_114 = vector.shape_cast %mul3A_109 : vector<16xf32> to vector<1x16xf32>
        tpu.vector_store %arg12[%swap3A_110, %swap3A_111], %swap3A_114 {strides = array<i32>} : memref<125x128xf32, #tpu.memory_space<vmem>>, vector<1x16xf32>,
      }
      %scan3A_31 = arith.constant 125 : i32
      "tpu.region"() ({
        %run_scoped3A = tpu.sem_alloc : memref<!tpu.dma_semaphore, #tpu.memory_space<semaphore_mem>>
        %dma_start3A_32 = arith.constant 0 : i32
        %dma_start3A_33 = tpu.memref_slice %arg10[%scan3A_15, %dma_start3A_32] : memref<80x125xi32, #tpu.memory_space<vmem>> -> memref<1x125xi32, #tpu.memory_space<vmem>>
        %dma_start3A_34 = tpu.memref_squeeze %dma_start3A_33 : memref<1x125xi32, #tpu.memory_space<vmem>> -> memref<125xi32, #tpu.memory_space<vmem>>
        %dma_start3A_35 = arith.constant 0 : i32
        %dma_start3A_36 = arith.constant 0 : i32
        %dma_start3A_37 = tpu.memref_slice %arg8[%dma_start3A_35, %dma_start3A_36] : memref<10240x128xf32, #tpu.memory_space<vmem_shared>> -> memref<10240x128xf32, #tpu.memory_space<vmem_shared>>
        tpu.enqueue_indirect_dma source(%arg12 : memref<125x128xf32, #tpu.memory_space<vmem>>) target(%dma_start3A_37 : memref<10240x128xf32, #tpu.memory_space<vmem_shared>>) offsets(%dma_start3A_34 : memref<125xi32, #tpu.memory_space<vmem>>) semaphore(%run_scoped3A : memref<!tpu.dma_semaphore, #tpu.memory_space<semaphore_mem>>) {add = true}
        %dma_wait3A_38 = arith.constant 0 : i32
        %dma_wait3A_39 = tpu.memref_slice %arg10[%scan3A_15, %dma_wait3A_38] : memref<80x125xi32, #tpu.memory_space<vmem>> -> memref<1x125xi32, #tpu.memory_space<vmem>>
        %dma_wait3A_40 = tpu.memref_squeeze %dma_wait3A_39 : memref<1x125xi32, #tpu.memory_space<vmem>> -> memref<125xi32, #tpu.memory_space<vmem>>
        %dma_wait3A_41 = arith.constant 0 : i32
        %dma_wait3A_42 = arith.constant 0 : i32
        %dma_wait3A_43 = tpu.memref_slice %arg8[%dma_wait3A_41, %dma_wait3A_42] : memref<10240x128xf32, #tpu.memory_space<vmem_shared>> -> memref<10240x128xf32, #tpu.memory_space<vmem_shared>>
        tpu.wait_indirect_dma semaphore(%run_scoped3A : memref<!tpu.dma_semaphore, #tpu.memory_space<semaphore_mem>>) src(%arg12 : memref<125x128xf32, #tpu.memory_space<vmem>>) dst(%dma_wait3A_43 : memref<10240x128xf32, #tpu.memory_space<vmem_shared>>)
        tpu.yield
      }) : () -> ()
    }
    %scan3A_10 = arith.constant 80 : i32
    %barrier3A_11 = arith.constant 0 : index
    tpu.barrier barrier_id(%barrier3A_11)
    %mul3A = arith.constant 640 : i32
    %mul3A_12 = arith.muli %arg1, %mul3A : i32
    %mul3A_13 = arith.constant 640 : i32
    %mul3A_14 = arith.muli %arg1, %mul3A_13 : i32
    "tpu.region"() ({
      %run_scoped3A = tpu.sem_alloc : memref<!tpu.dma_semaphore, #tpu.memory_space<semaphore_mem>>
      %dma_start3A = arith.constant 0 : i32
      %dma_start3A_15 = tpu.memref_slice %arg7[%arg0, %mul3A_14, %dma_start3A] : memref<2x10240x128xf32, #tpu.memory_space<hbm>> -> memref<1x640x128xf32, #tpu.memory_space<hbm>>
      %dma_start3A_16 = tpu.memref_squeeze %dma_start3A_15 : memref<1x640x128xf32, #tpu.memory_space<hbm>> -> memref<640x128xf32, #tpu.memory_space<hbm>>
      %dma_start3A_17 = arith.constant 0 : i32
      %dma_start3A_18 = tpu.memref_slice %arg8[%mul3A_12, %dma_start3A_17] : memref<10240x128xf32, #tpu.memory_space<vmem_shared>> -> memref<640x128xf32, #tpu.memory_space<vmem_shared>>
      tpu.enqueue_dma source(%dma_start3A_18 : memref<640x128xf32, #tpu.memory_space<vmem_shared>>) target(%dma_start3A_16 : memref<640x128xf32, #tpu.memory_space<hbm>>) target_semaphore(%run_scoped3A : memref<!tpu.dma_semaphore, #tpu.memory_space<semaphore_mem>>)
      %dma_wait3A = arith.constant 0 : i32
      %dma_wait3A_19 = tpu.memref_slice %arg7[%arg0, %mul3A_14, %dma_wait3A] : memref<2x10240x128xf32, #tpu.memory_space<hbm>> -> memref<1x640x128xf32, #tpu.memory_space<hbm>>
      %dma_wait3A_20 = tpu.memref_squeeze %dma_wait3A_19 : memref<1x640x128xf32, #tpu.memory_space<hbm>> -> memref<640x128xf32, #tpu.memory_space<hbm>>
      %dma_wait3A_21 = arith.constant 0 : i32
      %dma_wait3A_22 = tpu.memref_slice %arg8[%mul3A_12, %dma_wait3A_21] : memref<10240x128xf32, #tpu.memory_space<vmem_shared>> -> memref<640x128xf32, #tpu.memory_space<vmem_shared>>
      tpu.wait_dma2 semaphore(%run_scoped3A : memref<!tpu.dma_semaphore, #tpu.memory_space<semaphore_mem>>) src(%dma_wait3A_22 : memref<640x128xf32, #tpu.memory_space<vmem_shared>>) dst(%dma_wait3A_20 : memref<640x128xf32, #tpu.memory_space<hbm>>)
      tpu.yield
    }) : () -> ()
    return
  }
}

module attributes {stable_mosaic.version = 14 : i64} {
  func.func @_tc1_body(%arg0: memref<2x10240x16xf32, #tpu.memory_space<vmem>>, %arg1: memref<10000x128xf32, #tpu.memory_space<vmem>>, %arg2: memref<128x128xf32, #tpu.memory_space<vmem>>, %arg3: memref<10000x1xf32, #tpu.memory_space<vmem>>, %arg4: memref<10240x128xf32, #tpu.memory_space<vmem>>) attributes {dimension_semantics = [], scalar_prefetch = 0 : i64, scratch_operands = 0 : i64, tpu.core_type = #tpu.core_type<tc>} {
    %get3A = arith.constant 0 : index
    %get3A_0 = arith.constant 0 : index
    %get3A_1 = arith.constant 0 : index
    %get3A_2 = vector.load %arg0[%get3A, %get3A_0, %get3A_1] : memref<2x10240x16xf32, #tpu.memory_space<vmem>>, vector<1x10000x1xf32>
    %get3A_3 = vector.shape_cast %get3A_2 : vector<1x10000x1xf32> to vector<10000x1xf32>
    %get3A_4 = arith.constant 1 : index
    %get3A_5 = arith.constant 0 : index
    %get3A_6 = arith.constant 0 : index
    %get3A_7 = vector.load %arg0[%get3A_4, %get3A_5, %get3A_6] : memref<2x10240x16xf32, #tpu.memory_space<vmem>>, vector<1x10000x1xf32>
    %get3A_8 = vector.shape_cast %get3A_7 : vector<1x10000x1xf32> to vector<10000x1xf32>
    %add3A = arith.addf %get3A_3, %get3A_8 : vector<10000x1xf32>
    %add3A_9 = arith.constant 1.000000e+00 : f32
    %add3A_10 = vector.broadcast %add3A_9 : f32 to vector<10000x1xf32>
    %add3A_11 = arith.addf %add3A, %add3A_10 : vector<10000x1xf32>
    %rsqrt3A = math.rsqrt %add3A_11 : vector<10000x1xf32>
    %swap3A = arith.constant 0 : index
    %swap3A_12 = arith.constant 0 : index
    %swap3A_13 = vector.load %arg3[%swap3A, %swap3A_12] : memref<10000x1xf32, #tpu.memory_space<vmem>>, vector<10000x1xf32>
    tpu.vector_store %arg3[%swap3A, %swap3A_12], %rsqrt3A {strides = array<i32>} : memref<10000x1xf32, #tpu.memory_space<vmem>>, vector<10000x1xf32>,
    %get3A_14 = arith.constant 0 : index
    %get3A_15 = arith.constant 0 : index
    %get3A_16 = vector.load %arg1[%get3A_14, %get3A_15] : memref<10000x128xf32, #tpu.memory_space<vmem>>, vector<10000x128xf32>
    %get3A_17 = arith.constant 0 : index
    %get3A_18 = arith.constant 0 : index
    %get3A_19 = vector.load %arg2[%get3A_17, %get3A_18] : memref<128x128xf32, #tpu.memory_space<vmem>>, vector<128x128xf32>
    %dot_general3A = arith.constant dense<0.000000e+00> : vector<10000x128xf32>
    %dot_general3A_20 = tpu.matmul %get3A_16, %get3A_19, %dot_general3A {dimension_numbers = #tpu.dot_dimension_numbers<[1], [0], [0], [1], [0, 0, 1, 1], [], []>, transpose_lhs_hint = false} : vector<10000x128xf32>, vector<128x128xf32>, vector<10000x128xf32> -> vector<10000x128xf32>
    %mul3A = vector.broadcast %rsqrt3A : vector<10000x1xf32> to vector<10000x128xf32>
    %mul3A_21 = arith.mulf %mul3A, %dot_general3A_20 : vector<10000x128xf32>
    %swap3A_22 = arith.constant 0 : index
    %swap3A_23 = arith.constant 0 : index
    %swap3A_24 = vector.load %arg4[%swap3A_22, %swap3A_23] : memref<10240x128xf32, #tpu.memory_space<vmem>>, vector<10000x128xf32>
    tpu.vector_store %arg4[%swap3A_22, %swap3A_23], %mul3A_21 {strides = array<i32>} : memref<10240x128xf32, #tpu.memory_space<vmem>>, vector<10000x128xf32>,
    %broadcast_in_dim3A = arith.constant 0.000000e+00 : f32
    %broadcast_in_dim3A_25 = vector.broadcast %broadcast_in_dim3A : f32 to vector<240x128xf32>
    %swap3A_26 = arith.constant 10000 : index
    %swap3A_27 = arith.constant 0 : index
    %swap3A_28 = vector.load %arg4[%swap3A_26, %swap3A_27] : memref<10240x128xf32, #tpu.memory_space<vmem>>, vector<240x128xf32>
    tpu.vector_store %arg4[%swap3A_26, %swap3A_27], %broadcast_in_dim3A_25 {strides = array<i32>} : memref<10240x128xf32, #tpu.memory_space<vmem>>, vector<240x128xf32>,
    return
  }
}

module attributes {stable_mosaic.version = 14 : i64} {
  func.func @_tc_mid_body(%arg0: memref<2x10240x128xf32, #tpu.memory_space<vmem>>, %arg1: memref<10000x1xf32, #tpu.memory_space<vmem>>, %arg2: memref<128xf32, #tpu.memory_space<vmem>>, %arg3: memref<128xf32, #tpu.memory_space<vmem>>, %arg4: memref<128xf32, #tpu.memory_space<vmem>>, %arg5: memref<128x128xf32, #tpu.memory_space<vmem>>, %arg6: memref<10240x128xf32, #tpu.memory_space<vmem>>) attributes {dimension_semantics = [], scalar_prefetch = 0 : i64, scratch_operands = 0 : i64, tpu.core_type = #tpu.core_type<tc>} {
    %get3A = arith.constant 0 : index
    %get3A_0 = arith.constant 0 : index
    %get3A_1 = vector.load %arg1[%get3A, %get3A_0] : memref<10000x1xf32, #tpu.memory_space<vmem>>, vector<10000x1xf32>
    %get3A_2 = arith.constant 0 : index
    %get3A_3 = arith.constant 0 : index
    %get3A_4 = arith.constant 0 : index
    %get3A_5 = vector.load %arg0[%get3A_2, %get3A_3, %get3A_4] : memref<2x10240x128xf32, #tpu.memory_space<vmem>>, vector<1x10000x128xf32>
    %get3A_6 = vector.shape_cast %get3A_5 : vector<1x10000x128xf32> to vector<10000x128xf32>
    %get3A_7 = arith.constant 1 : index
    %get3A_8 = arith.constant 0 : index
    %get3A_9 = arith.constant 0 : index
    %get3A_10 = vector.load %arg0[%get3A_7, %get3A_8, %get3A_9] : memref<2x10240x128xf32, #tpu.memory_space<vmem>>, vector<1x10000x128xf32>
    %get3A_11 = vector.shape_cast %get3A_10 : vector<1x10000x128xf32> to vector<10000x128xf32>
    %add3A = arith.addf %get3A_6, %get3A_11 : vector<10000x128xf32>
    %mul3A = vector.broadcast %get3A_1 : vector<10000x1xf32> to vector<10000x128xf32>
    %mul3A_12 = arith.mulf %mul3A, %add3A : vector<10000x128xf32>
    %get3A_13 = arith.constant 0 : index
    %get3A_14 = vector.load %arg2[%get3A_13] : memref<128xf32, #tpu.memory_space<vmem>>, vector<128xf32>
    %broadcast_in_dim3A = vector.shape_cast %get3A_14 : vector<128xf32> to vector<1x128xf32>
    %add3A_15 = vector.broadcast %broadcast_in_dim3A : vector<1x128xf32> to vector<10000x128xf32>
    %add3A_16 = arith.addf %mul3A_12, %add3A_15 : vector<10000x128xf32>
    %max3A = arith.constant 0.000000e+00 : f32
    %max3A_17 = vector.broadcast %max3A : f32 to vector<10000x128xf32>
    %max3A_18 = arith.maximumf %add3A_16, %max3A_17 : vector<10000x128xf32>
    %reduce_sum3A = arith.constant dense<0.000000e+00> : vector<128xf32>
    %reduce_sum3A_19 = vector.multi_reduction <add>, %max3A_18, %reduce_sum3A [0] : vector<10000x128xf32> to vector<128xf32>
    %broadcast_in_dim3A_20 = vector.shape_cast %reduce_sum3A_19 : vector<128xf32> to vector<1x128xf32>
    %div3A = arith.constant 1.000000e+04 : f32
    %div3A_21 = vector.broadcast %div3A : f32 to vector<1x128xf32>
    %div3A_22 = arith.divf %broadcast_in_dim3A_20, %div3A_21 : vector<1x128xf32>
    %sub3A = vector.broadcast %div3A_22 : vector<1x128xf32> to vector<10000x128xf32>
    %sub3A_23 = arith.subf %max3A_18, %sub3A : vector<10000x128xf32>
    %square3A = arith.mulf %sub3A_23, %sub3A_23 : vector<10000x128xf32>
    %reduce_sum3A_24 = arith.constant dense<0.000000e+00> : vector<128xf32>
    %reduce_sum3A_25 = vector.multi_reduction <add>, %square3A, %reduce_sum3A_24 [0] : vector<10000x128xf32> to vector<128xf32>
    %broadcast_in_dim3A_26 = vector.shape_cast %reduce_sum3A_25 : vector<128xf32> to vector<1x128xf32>
    %div3A_27 = arith.constant 1.000000e+04 : f32
    %div3A_28 = vector.broadcast %div3A_27 : f32 to vector<1x128xf32>
    %div3A_29 = arith.divf %broadcast_in_dim3A_26, %div3A_28 : vector<1x128xf32>
    %sub3A_30 = vector.broadcast %div3A_22 : vector<1x128xf32> to vector<10000x128xf32>
    %sub3A_31 = arith.subf %max3A_18, %sub3A_30 : vector<10000x128xf32>
    %add3A_32 = arith.constant 9.99999974E-6 : f32
    %add3A_33 = vector.broadcast %add3A_32 : f32 to vector<1x128xf32>
    %add3A_34 = arith.addf %div3A_29, %add3A_33 : vector<1x128xf32>
    %rsqrt3A = math.rsqrt %add3A_34 : vector<1x128xf32>
    %mul3A_35 = vector.broadcast %rsqrt3A : vector<1x128xf32> to vector<10000x128xf32>
    %mul3A_36 = arith.mulf %sub3A_31, %mul3A_35 : vector<10000x128xf32>
    %get3A_37 = arith.constant 0 : index
    %get3A_38 = vector.load %arg3[%get3A_37] : memref<128xf32, #tpu.memory_space<vmem>>, vector<128xf32>
    %broadcast_in_dim3A_39 = vector.shape_cast %get3A_38 : vector<128xf32> to vector<1x128xf32>
    %mul3A_40 = vector.broadcast %broadcast_in_dim3A_39 : vector<1x128xf32> to vector<10000x128xf32>
    %mul3A_41 = arith.mulf %mul3A_36, %mul3A_40 : vector<10000x128xf32>
    %get3A_42 = arith.constant 0 : index
    %get3A_43 = vector.load %arg4[%get3A_42] : memref<128xf32, #tpu.memory_space<vmem>>, vector<128xf32>
    %broadcast_in_dim3A_44 = vector.shape_cast %get3A_43 : vector<128xf32> to vector<1x128xf32>
    %add3A_45 = vector.broadcast %broadcast_in_dim3A_44 : vector<1x128xf32> to vector<10000x128xf32>
    %add3A_46 = arith.addf %mul3A_41, %add3A_45 : vector<10000x128xf32>
    %get3A_47 = arith.constant 0 : index
    %get3A_48 = arith.constant 0 : index
    %get3A_49 = vector.load %arg5[%get3A_47, %get3A_48] : memref<128x128xf32, #tpu.memory_space<vmem>>, vector<128x128xf32>
    %dot_general3A = arith.constant dense<0.000000e+00> : vector<10000x128xf32>
    %dot_general3A_50 = tpu.matmul %add3A_46, %get3A_49, %dot_general3A {dimension_numbers = #tpu.dot_dimension_numbers<[1], [0], [0], [1], [0, 0, 1, 1], [], []>, transpose_lhs_hint = false} : vector<10000x128xf32>, vector<128x128xf32>, vector<10000x128xf32> -> vector<10000x128xf32>
    %mul3A_51 = vector.broadcast %get3A_1 : vector<10000x1xf32> to vector<10000x128xf32>
    %mul3A_52 = arith.mulf %mul3A_51, %dot_general3A_50 : vector<10000x128xf32>
    %swap3A = arith.constant 0 : index
    %swap3A_53 = arith.constant 0 : index
    %swap3A_54 = vector.load %arg6[%swap3A, %swap3A_53] : memref<10240x128xf32, #tpu.memory_space<vmem>>, vector<10000x128xf32>
    tpu.vector_store %arg6[%swap3A, %swap3A_53], %mul3A_52 {strides = array<i32>} : memref<10240x128xf32, #tpu.memory_space<vmem>>, vector<10000x128xf32>,
    %broadcast_in_dim3A_55 = arith.constant 0.000000e+00 : f32
    %broadcast_in_dim3A_56 = vector.broadcast %broadcast_in_dim3A_55 : f32 to vector<240x128xf32>
    %swap3A_57 = arith.constant 10000 : index
    %swap3A_58 = arith.constant 0 : index
    %swap3A_59 = vector.load %arg6[%swap3A_57, %swap3A_58] : memref<10240x128xf32, #tpu.memory_space<vmem>>, vector<240x128xf32>
    tpu.vector_store %arg6[%swap3A_57, %swap3A_58], %broadcast_in_dim3A_56 {strides = array<i32>} : memref<10240x128xf32, #tpu.memory_space<vmem>>, vector<240x128xf32>,
    return
  }
}

module attributes {stable_mosaic.version = 14 : i64} {
  func.func @_tc_final_body(%arg0: memref<2x10240x128xf32, #tpu.memory_space<vmem>>, %arg1: memref<10000x1xf32, #tpu.memory_space<vmem>>, %arg2: memref<128xf32, #tpu.memory_space<vmem>>, %arg3: memref<10000x128xf32, #tpu.memory_space<vmem>>) attributes {dimension_semantics = [], scalar_prefetch = 0 : i64, scratch_operands = 0 : i64, tpu.core_type = #tpu.core_type<tc>} {
    %get3A = arith.constant 0 : index
    %get3A_0 = arith.constant 0 : index
    %get3A_1 = vector.load %arg1[%get3A, %get3A_0] : memref<10000x1xf32, #tpu.memory_space<vmem>>, vector<10000x1xf32>
    %get3A_2 = arith.constant 0 : index
    %get3A_3 = arith.constant 0 : index
    %get3A_4 = arith.constant 0 : index
    %get3A_5 = vector.load %arg0[%get3A_2, %get3A_3, %get3A_4] : memref<2x10240x128xf32, #tpu.memory_space<vmem>>, vector<1x10000x128xf32>
    %get3A_6 = vector.shape_cast %get3A_5 : vector<1x10000x128xf32> to vector<10000x128xf32>
    %get3A_7 = arith.constant 1 : index
    %get3A_8 = arith.constant 0 : index
    %get3A_9 = arith.constant 0 : index
    %get3A_10 = vector.load %arg0[%get3A_7, %get3A_8, %get3A_9] : memref<2x10240x128xf32, #tpu.memory_space<vmem>>, vector<1x10000x128xf32>
    %get3A_11 = vector.shape_cast %get3A_10 : vector<1x10000x128xf32> to vector<10000x128xf32>
    %add3A = arith.addf %get3A_6, %get3A_11 : vector<10000x128xf32>
    %mul3A = vector.broadcast %get3A_1 : vector<10000x1xf32> to vector<10000x128xf32>
    %mul3A_12 = arith.mulf %mul3A, %add3A : vector<10000x128xf32>
    %get3A_13 = arith.constant 0 : index
    %get3A_14 = vector.load %arg2[%get3A_13] : memref<128xf32, #tpu.memory_space<vmem>>, vector<128xf32>
    %broadcast_in_dim3A = vector.shape_cast %get3A_14 : vector<128xf32> to vector<1x128xf32>
    %add3A_15 = vector.broadcast %broadcast_in_dim3A : vector<1x128xf32> to vector<10000x128xf32>
    %add3A_16 = arith.addf %mul3A_12, %add3A_15 : vector<10000x128xf32>
    %swap3A = arith.constant 0 : index
    %swap3A_17 = arith.constant 0 : index
    %swap3A_18 = vector.load %arg3[%swap3A, %swap3A_17] : memref<10000x128xf32, #tpu.memory_space<vmem>>, vector<10000x128xf32>
    tpu.vector_store %arg3[%swap3A, %swap3A_17], %add3A_16 {strides = array<i32>} : memref<10000x128xf32, #tpu.memory_space<vmem>>, vector<10000x128xf32>,
    return
  }
}

</mosaic_0001>

<sc_bundles>
// kernel: kernel.10.cloned.1.call-start
scs
__scs_entry_jumppad:
0x0: {  	(pc) =	sbr.rel $0x88, $3  }
0x1: {  	(tag) =	ssettag $0x0;
	lr =	simm.s32 $0x1  }
0x2: {  	[smem:$0x3F94] =	sst lr;
	_ =	strace $0xD0000000  }
0x3: {  	_ = 	snop  }
0x4: {  	_ = 	snop  }
0x5: {  	_ = 	snop  }
0x6: {  	_ = 	snop  }
0x7: {  	_ = 	snop  }
__scs_overlays_trampoline_lowered:
0x8: {  	[smem:$0x3FA3] =	sst s0  }
0x9: {  	[smem:$0x3FA4] =	sst s1  }
0xa: {  	[smem:$0x3FA5] =	sst s2  }
0xb: {  	[smem:$0x3FA6] =	sst s3  }
0xc: {  	[smem:$0x3FA7] =	sst s4  }
0xd: {  	[smem:$0x3FA8] =	sst s5  }
0xe: {  	[smem:$0x3FA9] =	sst s6  }
0xf: {  	[smem:$0x3FAA] =	sst s7  }
0x10: {  	[smem:$0x3FAB] =	sst s8  }
0x11: {  	[smem:$0x3FAC] =	sst s9;
	s0 =	simm.s32 @!p0 $0x0  }
0x12: {  	s1 =	sld [smem:$0x3F92];
	s0 =	simm.s32 @p0 $0x1  }
0x13: {  	[smem:$0x3FAD] =	sst s0;
	s0 =	simm.s32 @!p1 $0x0  }
0x14: {  	s2 =	sld [smem:$0x3F91];
	s0 =	simm.s32 @p1 $0x1  }
0x15: {  	[smem:$0x3FAE] =	sst s0;
	s0 =	simm.s32 @!p2 $0x0  }
0x16: {  	s3 =	sld [smem:$0x3FDB];
	s0 =	simm.s32 @p2 $0x1  }
0x17: {  	s4 =	simm.s32 $0x1BF5;
	[smem:$0x3FB0] =	sst s0  }
0x18: {  	s0 =	sld [smem:$0x3F93];
	_ =	swait.ge [sflag:s4], $0x0  }
0x19: {  	s7 =	sld [smem:$0x3F94]  }
0x1a: {  	s8 =	sadd.s32 $0xFFFFE003, lr  }
0x1b: {  	s9 =	sadd.s32 $0xFFFFFEF7, lr;
	s5 =	simm.s32 $0xFFFFFFFF;
	p2 =	slt.u32 s8, $0xFFFFF086  }
0x1c: {  	p1 =	slt.u32 s9, $0xF7A;
	s5 =	simm.s32 @!p2 $0x0  }
0x1d: {  	s5 =	simm.s32 @p1 $0x1;
	p0 =	seq.s32 s7, s2  }
0x1e: {  	s7 =	smul.u32 @!p0 $0xF7A, s2;
	p2 =	seq.s32 @!p0 s5, $0x0  }
0x1f: {  	s9 =	smul.u32 $0xF7A, s1;
	s8 =	simm.s32 @!p0 $0x1BF5;
	p2 =	por !p2, p0  }
0x20: {  	[sflag:s8] =	ssyncset.s32 @!p0 $0xFFFFF086;
	s6 =	sadd.s32 @!p0 s3, s7;
	s7 =	simm.s32 @!p0 $0x108  }
0x21: {  	s3 =	sadd.s32 s3, s9;
	s6 =	sadd.s32 @!p0 $0x88, s6;
	s7 =	simm.s32 @p2 $0x1082  }
0x22: {  	[simem:s7], [sflag:s8] =	dma.local @!p0 [hbm:s6], $0xF7A  }
0x23: {  	s9 =	sor.u32 $0xD0000000, s2;
	s6 =	simm.s32 $0x108;
	_ =	swait.ge @!p0 [sflag:s8], $0x0  }
0x24: {  	s3 =	sadd.s32 $0x88, s3;
	s6 =	simm.s32 @!p1 $0x1082;
	[sflag:s4] =	ssyncset.s32 $0xFFFFF086  }
0x25: {  	[simem:s6], [sflag:s4] =	dma.local [hbm:s3], $0xF7A  }
0x26: {  	[smem:$0x3F94] =	sst s1;
	(tag) =	ssettag s2;
	_ =	strace s9  }
0x27: {  	s1 =	sld [smem:$0x3FA4]  }
0x28: {  	s2 =	sld [smem:$0x3FA5]  }
0x29: {  	s4 =	sld [smem:$0x3FA7]  }
0x2a: {  	p0 =	seq.s32 s5, $0x0;
	s5 =	sld [smem:$0x3FA8]  }
0x2b: {  	s6 =	sld [smem:$0x3FA9]  }
0x2c: {  	s7 =	sld [smem:$0x3FAA]  }
0x2d: {  	s3 =	simm.s32 $0x108;
	s8 =	sld [smem:$0x3FAB]  }
0x2e: {  	s3 =	simm.s32 @!p0 $0x1082;
	s9 =	sld [smem:$0x3FAC]  }
0x2f: {  	lr =	sadd.s32 s0, s3;
	s0 =	sld [smem:$0x3FA3]  }
0x30: {  	s3 =	sld [smem:$0x3FA6]  }
0x31: {  	[smem:$0x3FAF] =	sst s10  }
0x32: {  	s10 =	sld [smem:$0x3FAD];
	_ =	sdelay $0x3  }
0x33: {  	p0 =	seq.s32 s10, $0x1;
	s10 =	sld [smem:$0x3FAF];
	_ =	sdelay $0x3  }
0x34: {  	[smem:$0x3FAF] =	sst s10  }
0x35: {  	s10 =	sld [smem:$0x3FAE];
	_ =	sdelay $0x3  }
0x36: {  	p1 =	seq.s32 s10, $0x1;
	s10 =	sld [smem:$0x3FAF];
	_ =	sdelay $0x3  }
0x37: {  	[smem:$0x3FAF] =	sst s10  }
0x38: {  	s10 =	sld [smem:$0x3FB0]  }
0x39: {  	_ = 	snop;
	(pc) =	sbr.ind lr, $3  }
0x3a: {  	_ = 	snop  }
0x3b: {  	_ = 	snop  }
0x3c: {  	p2 =	seq.s32 s10, $0x1;
	s10 =	sld [smem:$0x3FAF]  }
0x3d: {  	_ =	shalt  }
0x3e: {  	_ =	shalt  }
0x3f: {  	_ =	shalt  }
0x40: {  	_ =	shalt  }
0x41: {  	_ =	shalt  }
0x42: {  	_ =	shalt  }
0x43: {  	_ =	shalt  }
0x44: {  	_ =	shalt  }
0x45: {  	_ =	shalt  }
0x46: {  	_ =	shalt  }
0x47: {  	_ =	shalt  }
0x48: {  	_ =	shalt  }
0x49: {  	_ =	shalt  }
0x4a: {  	_ =	shalt  }
0x4b: {  	_ =	shalt  }
0x4c: {  	_ =	shalt  }
0x4d: {  	_ =	shalt  }
0x4e: {  	_ =	shalt  }
0x4f: {  	_ =	shalt  }
0x50: {  	_ =	shalt  }
0x51: {  	_ =	shalt  }
0x52: {  	_ =	shalt  }
0x53: {  	_ =	shalt  }
0x54: {  	_ =	shalt  }
0x55: {  	_ =	shalt  }
0x56: {  	_ =	shalt  }
0x57: {  	_ =	shalt  }
0x58: {  	_ =	shalt  }
0x59: {  	_ =	shalt  }
0x5a: {  	_ =	shalt  }
0x5b: {  	_ =	shalt  }
0x5c: {  	_ =	shalt  }
0x5d: {  	_ =	shalt  }
0x5e: {  	_ =	shalt  }
0x5f: {  	_ =	shalt  }
0x60: {  	_ =	shalt  }
0x61: {  	_ =	shalt  }
0x62: {  	_ =	shalt  }
0x63: {  	_ =	shalt  }
0x64: {  	_ =	shalt  }
0x65: {  	_ =	shalt  }
0x66: {  	_ =	shalt  }
0x67: {  	_ =	shalt  }
0x68: {  	_ =	shalt  }
0x69: {  	_ =	shalt  }
0x6a: {  	_ =	shalt  }
0x6b: {  	_ =	shalt  }
0x6c: {  	_ =	shalt  }
0x6d: {  	_ =	shalt  }
0x6e: {  	_ =	shalt  }
0x6f: {  	_ =	shalt  }
0x70: {  	_ =	shalt  }
0x71: {  	_ =	shalt  }
0x72: {  	_ =	shalt  }
0x73: {  	_ =	shalt  }
0x74: {  	_ =	shalt  }
0x75: {  	_ =	shalt  }
0x76: {  	_ =	shalt  }
0x77: {  	_ =	shalt  }
0x78: {  	_ =	shalt  }
0x79: {  	_ =	shalt  }
0x7a: {  	_ =	shalt  }
0x7b: {  	_ =	shalt  }
0x7c: {  	_ =	shalt  }
0x7d: {  	_ =	shalt  }
0x7e: {  	_ =	shalt  }
0x7f: {  	_ =	shalt  }
0x80: {  	_ =	shalt  }
0x81: {  	_ =	shalt  }
0x82: {  	_ =	shalt  }
0x83: {  	_ =	shalt  }
0x84: {  	_ =	shalt  }
0x85: {  	_ =	shalt  }
0x86: {  	_ =	shalt  }
0x87: {  	_ =	shalt  }
.Lfunc_end0:
.L_simem_size_0:
called_computation_lowered:
.L_overlay_start_0:
0x88: {  	s2 =	sld [smem:$0x3FD9]  }
0x89: {  	s3 =	sld [smem:$0x3FFE];
	_ =	sdelay $0x1  }
0x8a: {  	s1 =	srdreg.scid  }
0x8b: {  	s0 =	sand.u32 $0x1, s1  }
0x8c: {  	s17 =	sshll.u32 s0, $0xA;
	s2 =	sadd.s32 s3, s2  }
0x8d: {  	s2 =	sadd.s32 s2, s17  }
0x8e: {  	[smem:$0x3FBB] =	sst s2  }
0x8f: {  	_ = 	snop  }
0x90: {  	s2 =	sld [smem:$0x3FD0];
	(tm) =	ssettm $0x1  }
0x91: {  	s18 =	sld [smem:$0x3FFB];
	_ =	sdelay $0x3  }
0x92: {  	_ =	strace s18  }
0x93: {  	s3 =	sld [smem:$0x3FFC];
	_ =	sdelay $0x3  }
0x94: {  	_ =	strace s3  }
0x95: {  	s3 =	sld [smem:$0x3FFD];
	_ =	sdelay $0x3  }
0x96: {  	_ =	strace s3  }
0x97: {  	_ =	strace $0x8FFFFFFF  }
0x98: {  	s19 =	sld [smem:$0x3FDB];
	_ =	sdelay $0x1  }
0x99: {  	s4 =	simm.s32 $_scs_section_size  }
0x9a: {  	s5 =	simm.s32 $_size__tile_overlayer_lowered;
	s6 =	simm.s32 $_tile_overlayer_lowered  }
0x9b: {  	s22 =	simm.s32 $0x1BFF;
	s21 =	sshll.u32 s6, $0x1;
	s3 =	sadd.s32 s4, s19  }
0x9c: {  	s7 =	simm.s32 $0x0;
	s20 =	sshll.u32 s5, $0x1;
	s5 =	sadd.s32 s21, s3  }
0x9d: {  	[timem:s7], [sflag:s22] =	dma.local [hbm:s5], s20  }
0x9e: {  	_ =	swait.ge [sflag:s22], s20  }
0x9f: {  	s4 =	ssub.s32 $0x0, s20;
	[sflag:s22] =	ssyncset.done $0x0  }
0xa0: {  	[sflag:s22] =	ssyncadd.s32 s4;
	_ =	sdelay $0x1  }
0xa1: {  	s23 =	simm.s32 $0x1B8B  }
0xa2: {  	_ =	swait.ge [sflag:s23], $0x1  }
0xa3: {  	[sflag:s23] =	ssyncset.done $0x0  }
0xa4: {  	s25 =	simm.s32 $0x1B8E;
	s24 =	sld [smem:$0x3FFE];
	[sflag:s23] =	ssyncadd.s32 $0xFFFFFFFF  }
0xa5: {  	s26 =	simm.s32 $execute0_lowered;
	[smem:$0x3FD2] =	sst s25  }
0xa6: {  	s5 =	sshll.u32 s26, $0x1;
	_ =	strace $0x80000046;
	[dreg:$0x1] =	wrdreg $0xFFFFFFFF  }
0xa7: {  	s28 =	simm.s32 $_size_execute0_lowered;
	s3 =	sadd.s32 s3, s5;
	[dreg:$0x0] =	wrdreg $0x0  }
0xa8: {  	s5 =	sshll.u32 s28, $0x1;
	[dreg:$0x2] =	wrdreg s3  }
0xa9: {  	[dreg:$0x3] =	wrdreg s5  }
0xaa: {  	[dreg:$0x4] =	wrdreg $0xC0  }
0xab: {  	_ =	task [dreg:s7], $0x5FFFF  }
0xac: {  	[dreg:$0x1] =	wrdreg $0xFFFFFFFF  }
0xad: {  	[dreg:$0x0] =	wrdreg $0x60  }
0xae: {  	[dreg:$0x2] =	wrdreg s24  }
0xaf: {  	[dreg:$0x3] =	wrdreg s2  }
0xb0: {  	[dreg:$0x4] =	wrdreg $0x0  }
0xb1: {  	[dreg:$0x5] =	wrdreg $0x9  }
0xb2: {  	_ =	task.clear_ibuf [dreg:s7], $0x6FFFF;
	_ =	strace $0x90000046  }
0xb3: {  	s29 =	simm.s32 $0x9;
	_ =	strace $0x80000048  }
0xb4: {  	_ =	swait.ge [sflag:s29], $0x1  }
0xb5: {  	[sflag:s29] =	ssyncadd.s32 $0xFFFFFFFF  }
0xb6: {  	_ =	strace $0x90000048  }
0xb7: {  	_ =	sfence  }
0xb8: {  	s30 =	sld [smem:$0x0];
	_ =	sdelay $0x2  }
0xb9: {  	s31 =	sshll.u32 s1, $0xD;
	s1 =	sshrl.u32 s1, $0x2  }
0xba: {  	s3 =	sand.u32 $0x4000, s31;
	s1 =	sadd.s32 s1, s30  }
0xbb: {  	s0 =	sor.u32 s3, s0;
	s1 =	sshll.u32 s1, $0x11  }
0xbc: {  	s0 =	sor.u32 s1, s0  }
0xbd: {  	s0 =	sadd.s32 $0x8F2B, s0  }
0xbe: {  	[sflag:s0] =	ssyncadd.remote.s32 $0x1  }
0xbf: {  	_ =	sfence.sel $0xFFFF  }
0xc0: {  	[dreg:$0x0] =	wrdreg $0xFFFFFFFF;
	(pc) =	sbr.abs _section_cstart, $3  }
0xc1: {  	[dreg:$0x1] =	wrdreg $0xFFFFFFFF  }
0xc2: {  	_ =	task.clear_ibuf [dreg:s7], $0x2FFFF;
	_ =	strace $0x9FFFFFFF  }
0xc3: {  	(tm) =	ssettm $0x7FFFFFFF  }
tec
execute0_lowered:
.L_overlay_start_1:
0x0: {  	(tag) =	ssettag $0x1  }
0x1: {  	s4 =	rddreg [dreg:$0x0];
	s0 =	srdreg.scid  }
0x2: {  	s6 =	rddreg [dreg:$0x1];
	s5 =	sand.u32 $0x1, s0  }
0x3: {  	s0 =	stileid.u32;
	s7 =	smul.u32 $0x271000, s5  }
0x4: {  	s2 =	rddreg [dreg:$0x2];
	s8 =	smul.u32 $0x27100, s0  }
0x5: {  	s1 =	rddreg [dreg:$0x3];
	s3 =	simm.s32 $0x0;
	s29 =	smul.u32 $0x2800, s0  }
0x6: {  	s14 =	simm.s32 $0x0;
	[smem:$0x7FF] =	sst s3;
	s9 =	smul.u32 $0x28000, s5  }
0x7: {  	_ =	strace $0x80000047;
	s5 =	ssub.s32 $0x2, s5;
	s31 =	sshll.u32 s0, $0x6  }
0x8: {  	s11 =	sshrl.u32 s5, $0x1;
	s7 =	sadd.s32 s8, s7;
	s30 =	sshrl.u32 s29, $0x3  }
0x9: {  	s9 =	sadd.s32 s29, s9;
	s11 =	ssub.s32 s5, s11;
	s13 =	sadd.s32 s29, s2  }
0xa: {  	s5 =	sor.u32 $0x1C01, s31;
	s7 =	sshrl.u32 s7, $0x3;
	s9 =	sshrl.u32 s9, $0x3  }
0xb: {  	s8 =	smax.u32 s11, $0x1;
	s11 =	simm.s32 $0x1;
	s10 =	sadd.s32 s7, s4  }
0xc: {  	s7 =	sadd.s32 s30, s4;
	s12 =	sadd.s32 s9, s4;
	s6 =	sadd.s32 s6, s9  }
0xd: {  	s4 =	sadd.s32 $0x3400, s7;
	s7 =	sadd.s32 $0x8400, s12;
	s9 =	sadd.s32 $0x503400, s10  }
0xe: {  	s10 =	sshrl.u32 s13, $0x3;
	s12 =	simm.s32 $0x5000;
	s13 =	simm.s32 $0x7D  }
.LBB2_1:
0xf: {  	[spmem:s10], [sflag:s5] =	dma.local [hbm:s4], $0x500  }
0x10: {  	_ =	swait.ge [sflag:s11], $0x500  }
0x11: {  	[sflag:s11] =	ssyncset.done $0x0  }
0x12: {  	s15 =	simm.s32 $0x2800;
	[sflag:s11] =	ssyncadd.s32 $0xFFFFFB00  }
0x13: {  	[tilespmem:s15], [sflag:$0x1] =	stream.linear.gather [hbm4b:s6+s3], $0x2800, $0x38;
	[tilespmem:$0x57D0] =	vst v63  }
0x14: {  	_ =	swait.ge [sflag:s11], $0x2800  }
0x15: {  	[sflag:s11] =	ssyncset.done $0x0  }
0x16: {  	[sflag:s11] =	ssyncadd.s32 $0xFFFFD800  }
0x17: {  	s16 =	sadd.s32 $0x0, s9;
	[bflag:$0x0] =	sbarrier.arrive $0xFFFF  }
0x18: {  	[tilespmem:s12], [sflag:$0x1] =	stream.linear.gather [hbm4b:s16+s3], $0x7D0, $0x38;
	[tilespmem:$0x57D0] =	vst v63  }
0x19: {  	_ =	swait.ge [sflag:s11], $0x7D0  }
0x1a: {  	[sflag:s11] =	ssyncset.done $0x0  }
0x1b: {  	[sflag:s11] =	ssyncadd.s32 $0xFFFFF830  }
0x1c: {  	[spmem:s2] =	stream.indirect.scatter.add.f32 [tilespmem:s12], [sflag:$0x1], $0x10, s15, s13, $0xb8;
	[tilespmem:$0x57D0] =	vst v63  }
0x1d: {  	s17 =	simm.s32 $0x1F4;
	_ =	swait.ge [sflag:s11], $0x7D0  }
0x1e: {  	s16 =	simm.s32 $0xFA;
	s15 =	simm.s32 $0x2880;
	[sflag:s11] =	ssyncset.done $0x0  }
.LBB2_2:
0x1f: {  	s18 =	sadd.s32 s16, s9  }
0x20: {  	[sflag:s11] =	ssyncadd.s32 $0xFFFFF830;
	s16 =	smov.u32 s17;
	s19 =	sadd.s32 $0xFA, s17  }
0x21: {  	[tilespmem:s12], [sflag:$0x1] =	stream.linear.gather [hbm4b:s18+s3], $0x7D0, $0x38;
	[tilespmem:$0x57D0] =	vst v63  }
0x22: {  	p0 =	sne.s32 s17, $0x4D26;
	_ =	swait.ge [sflag:s11], $0x7D0  }
.Ltmp0:
0x23: {  	[sflag:s11] =	ssyncset.done $0x0;
	(pc) =	sbr.rel @p0 .LBB2_2-.Ltmp0, $4  }
0x24: {  	[sflag:s11] =	ssyncadd.s32 $0xFFFFF830  }
0x25: {  	[spmem:s2] =	stream.indirect.scatter.add.f32 [tilespmem:s12], [sflag:$0x1], $0x10, s15, s13, $0xb8;
	[tilespmem:$0x57D0] =	vst v63  }
0x26: {  	_ =	swait.ge [sflag:s11], $0x7D0  }
0x27: {  	s17 =	smov.u32 s19;
	s15 =	sadd.s32 $0x80, s15;
	[sflag:s11] =	ssyncset.done $0x0  }
0x28: {  	s16 =	sadd.s32 s16, s9;
	[sflag:s11] =	ssyncadd.s32 $0xFFFFF830  }
0x29: {  	[tilespmem:s12], [sflag:$0x1] =	stream.linear.gather [hbm4b:s16+s3], $0x7D0, $0x38;
	[tilespmem:$0x57D0] =	vst v63  }
0x2a: {  	_ =	swait.ge [sflag:s11], $0x7D0  }
0x2b: {  	[sflag:s11] =	ssyncset.done $0x0  }
0x2c: {  	[sflag:s11] =	ssyncadd.s32 $0xFFFFF830  }
0x2d: {  	[spmem:s2] =	stream.indirect.scatter.add.f32 [tilespmem:s12], [sflag:$0x1], $0x10, s15, s13, $0xb8;
	[tilespmem:$0x57D0] =	vst v63  }
0x2e: {  	_ =	swait.ge [sflag:s11], $0x7D0  }
0x2f: {  	s14 =	sadd.s32 $0x1, s14;
	[sflag:s11] =	ssyncset.done $0x0  }
0x30: {  	p0 =	sne.s32 s14, s8;
	[sflag:s11] =	ssyncadd.s32 $0xFFFFF830  }
.Ltmp1:
0x31: {  	[bflag:$0x0] =	sbarrier.arrive $0xFFFF;
	(pc) =	sbr.rel @p0 .LBB2_1-.Ltmp1, $4  }
0x32: {  	[hbm:s7], [sflag:s5] =	dma.local [spmem:s10], $0x500  }
0x33: {  	_ =	swait.ge [sflag:s11], $0x500  }
0x34: {  	[sflag:s11] =	ssyncset.done $0x0  }
0x35: {  	[sflag:s11] =	ssyncadd.s32 $0xFFFFFB00  }
0x36: {  	_ =	sfence.sel $0x180000  }
0x37: {  	[bflag:$0x0] =	sbarrier.arrive $0xFFFF  }
0x38: {  	p0 =	sne.s32 s0, $0x0;
	_ =	strace $0x90000047  }
0x39: {  	s0 =	sadd.s32 @!p0 $0x100000, s1;
	[bflag:$0x2] =	sbarrier.arrive $0xFFFF  }
0x3a: {  	[sflag:s0] =	ssyncadd.tile.s32 @!p0 $0x1;
	_ =	shalt  }
.Lfunc_end2:
_tile_overlayer_lowered:
.L_overlay_start_2:
0x3b: {  	(tag) =	ssettag $0x2  }
0x3c: {  	s0 =	rddreg [dreg:$0x0];
	s2 =	stileid.u32  }
0x3d: {  	s1 =	rddreg [dreg:$0x1];
	p0 =	sne.s32 s2, $0x0  }
0x3e: {  	s3 =	rddreg [dreg:$0x2];
	[bflag:$0x3] =	sbarrier.arrive $0xFFFF;
	s2 =	simm.s32 @!p0 $0x1C01  }
0x3f: {  	[timem:s3], [sflag:s2] =	dma.local @!p0 [hbm:s0], s1  }
0x40: {  	s0 =	simm.s32 @!p0 $0x1  }
0x41: {  	_ =	swait.ge @!p0 [sflag:s0], s1  }
0x42: {  	s1 =	ssub.s32 @!p0 $0x0, s1;
	[sflag:s0] =	ssyncset.done @!p0 $0x0  }
0x43: {  	[sflag:s0] =	ssyncadd.s32 @!p0 s1  }
0x44: {  	[bflag:$0x3] =	sbarrier.arrive $0xFFFF  }
0x45: {  	_ =	shalt  }

// kernel: kernel.13.cloned.1.call-start
scs
__scs_entry_jumppad:
0x0: {  	(pc) =	sbr.rel $0x88, $3  }
0x1: {  	(tag) =	ssettag $0x0;
	lr =	simm.s32 $0x1  }
0x2: {  	[smem:$0x3F94] =	sst lr;
	_ =	strace $0xD0000000  }
0x3: {  	_ = 	snop  }
0x4: {  	_ = 	snop  }
0x5: {  	_ = 	snop  }
0x6: {  	_ = 	snop  }
0x7: {  	_ = 	snop  }
__scs_overlays_trampoline_lowered:
0x8: {  	[smem:$0x3FA3] =	sst s0  }
0x9: {  	[smem:$0x3FA4] =	sst s1  }
0xa: {  	[smem:$0x3FA5] =	sst s2  }
0xb: {  	[smem:$0x3FA6] =	sst s3  }
0xc: {  	[smem:$0x3FA7] =	sst s4  }
0xd: {  	[smem:$0x3FA8] =	sst s5  }
0xe: {  	[smem:$0x3FA9] =	sst s6  }
0xf: {  	[smem:$0x3FAA] =	sst s7  }
0x10: {  	[smem:$0x3FAB] =	sst s8  }
0x11: {  	[smem:$0x3FAC] =	sst s9;
	s0 =	simm.s32 @!p0 $0x0  }
0x12: {  	s1 =	sld [smem:$0x3F92];
	s0 =	simm.s32 @p0 $0x1  }
0x13: {  	[smem:$0x3FAD] =	sst s0;
	s0 =	simm.s32 @!p1 $0x0  }
0x14: {  	s2 =	sld [smem:$0x3F91];
	s0 =	simm.s32 @p1 $0x1  }
0x15: {  	[smem:$0x3FAE] =	sst s0;
	s0 =	simm.s32 @!p2 $0x0  }
0x16: {  	s3 =	sld [smem:$0x3FDB];
	s0 =	simm.s32 @p2 $0x1  }
0x17: {  	s4 =	simm.s32 $0x1BF5;
	[smem:$0x3FB0] =	sst s0  }
0x18: {  	s0 =	sld [smem:$0x3F93];
	_ =	swait.ge [sflag:s4], $0x0  }
0x19: {  	s7 =	sld [smem:$0x3F94]  }
0x1a: {  	s8 =	sadd.s32 $0xFFFFE003, lr  }
0x1b: {  	s9 =	sadd.s32 $0xFFFFFEF7, lr;
	s5 =	simm.s32 $0xFFFFFFFF;
	p2 =	slt.u32 s8, $0xFFFFF086  }
0x1c: {  	p1 =	slt.u32 s9, $0xF7A;
	s5 =	simm.s32 @!p2 $0x0  }
0x1d: {  	s5 =	simm.s32 @p1 $0x1;
	p0 =	seq.s32 s7, s2  }
0x1e: {  	s7 =	smul.u32 @!p0 $0xF7A, s2;
	p2 =	seq.s32 @!p0 s5, $0x0  }
0x1f: {  	s9 =	smul.u32 $0xF7A, s1;
	s8 =	simm.s32 @!p0 $0x1BF5;
	p2 =	por !p2, p0  }
0x20: {  	[sflag:s8] =	ssyncset.s32 @!p0 $0xFFFFF086;
	s6 =	sadd.s32 @!p0 s3, s7;
	s7 =	simm.s32 @!p0 $0x108  }
0x21: {  	s3 =	sadd.s32 s3, s9;
	s6 =	sadd.s32 @!p0 $0x88, s6;
	s7 =	simm.s32 @p2 $0x1082  }
0x22: {  	[simem:s7], [sflag:s8] =	dma.local @!p0 [hbm:s6], $0xF7A  }
0x23: {  	s9 =	sor.u32 $0xD0000000, s2;
	s6 =	simm.s32 $0x108;
	_ =	swait.ge @!p0 [sflag:s8], $0x0  }
0x24: {  	s3 =	sadd.s32 $0x88, s3;
	s6 =	simm.s32 @!p1 $0x1082;
	[sflag:s4] =	ssyncset.s32 $0xFFFFF086  }
0x25: {  	[simem:s6], [sflag:s4] =	dma.local [hbm:s3], $0xF7A  }
0x26: {  	[smem:$0x3F94] =	sst s1;
	(tag) =	ssettag s2;
	_ =	strace s9  }
0x27: {  	s1 =	sld [smem:$0x3FA4]  }
0x28: {  	s2 =	sld [smem:$0x3FA5]  }
0x29: {  	s4 =	sld [smem:$0x3FA7]  }
0x2a: {  	p0 =	seq.s32 s5, $0x0;
	s5 =	sld [smem:$0x3FA8]  }
0x2b: {  	s6 =	sld [smem:$0x3FA9]  }
0x2c: {  	s7 =	sld [smem:$0x3FAA]  }
0x2d: {  	s3 =	simm.s32 $0x108;
	s8 =	sld [smem:$0x3FAB]  }
0x2e: {  	s3 =	simm.s32 @!p0 $0x1082;
	s9 =	sld [smem:$0x3FAC]  }
0x2f: {  	lr =	sadd.s32 s0, s3;
	s0 =	sld [smem:$0x3FA3]  }
0x30: {  	s3 =	sld [smem:$0x3FA6]  }
0x31: {  	[smem:$0x3FAF] =	sst s10  }
0x32: {  	s10 =	sld [smem:$0x3FAD];
	_ =	sdelay $0x3  }
0x33: {  	p0 =	seq.s32 s10, $0x1;
	s10 =	sld [smem:$0x3FAF];
	_ =	sdelay $0x3  }
0x34: {  	[smem:$0x3FAF] =	sst s10  }
0x35: {  	s10 =	sld [smem:$0x3FAE];
	_ =	sdelay $0x3  }
0x36: {  	p1 =	seq.s32 s10, $0x1;
	s10 =	sld [smem:$0x3FAF];
	_ =	sdelay $0x3  }
0x37: {  	[smem:$0x3FAF] =	sst s10  }
0x38: {  	s10 =	sld [smem:$0x3FB0]  }
0x39: {  	_ = 	snop;
	(pc) =	sbr.ind lr, $3  }
0x3a: {  	_ = 	snop  }
0x3b: {  	_ = 	snop  }
0x3c: {  	p2 =	seq.s32 s10, $0x1;
	s10 =	sld [smem:$0x3FAF]  }
0x3d: {  	_ =	shalt  }
0x3e: {  	_ =	shalt  }
0x3f: {  	_ =	shalt  }
0x40: {  	_ =	shalt  }
0x41: {  	_ =	shalt  }
0x42: {  	_ =	shalt  }
0x43: {  	_ =	shalt  }
0x44: {  	_ =	shalt  }
0x45: {  	_ =	shalt  }
0x46: {  	_ =	shalt  }
0x47: {  	_ =	shalt  }
0x48: {  	_ =	shalt  }
0x49: {  	_ =	shalt  }
0x4a: {  	_ =	shalt  }
0x4b: {  	_ =	shalt  }
0x4c: {  	_ =	shalt  }
0x4d: {  	_ =	shalt  }
0x4e: {  	_ =	shalt  }
0x4f: {  	_ =	shalt  }
0x50: {  	_ =	shalt  }
0x51: {  	_ =	shalt  }
0x52: {  	_ =	shalt  }
0x53: {  	_ =	shalt  }
0x54: {  	_ =	shalt  }
0x55: {  	_ =	shalt  }
0x56: {  	_ =	shalt  }
0x57: {  	_ =	shalt  }
0x58: {  	_ =	shalt  }
0x59: {  	_ =	shalt  }
0x5a: {  	_ =	shalt  }
0x5b: {  	_ =	shalt  }
0x5c: {  	_ =	shalt  }
0x5d: {  	_ =	shalt  }
0x5e: {  	_ =	shalt  }
0x5f: {  	_ =	shalt  }
0x60: {  	_ =	shalt  }
0x61: {  	_ =	shalt  }
0x62: {  	_ =	shalt  }
0x63: {  	_ =	shalt  }
0x64: {  	_ =	shalt  }
0x65: {  	_ =	shalt  }
0x66: {  	_ =	shalt  }
0x67: {  	_ =	shalt  }
0x68: {  	_ =	shalt  }
0x69: {  	_ =	shalt  }
0x6a: {  	_ =	shalt  }
0x6b: {  	_ =	shalt  }
0x6c: {  	_ =	shalt  }
0x6d: {  	_ =	shalt  }
0x6e: {  	_ =	shalt  }
0x6f: {  	_ =	shalt  }
0x70: {  	_ =	shalt  }
0x71: {  	_ =	shalt  }
0x72: {  	_ =	shalt  }
0x73: {  	_ =	shalt  }
0x74: {  	_ =	shalt  }
0x75: {  	_ =	shalt  }
0x76: {  	_ =	shalt  }
0x77: {  	_ =	shalt  }
0x78: {  	_ =	shalt  }
0x79: {  	_ =	shalt  }
0x7a: {  	_ =	shalt  }
0x7b: {  	_ =	shalt  }
0x7c: {  	_ =	shalt  }
0x7d: {  	_ =	shalt  }
0x7e: {  	_ =	shalt  }
0x7f: {  	_ =	shalt  }
0x80: {  	_ =	shalt  }
0x81: {  	_ =	shalt  }
0x82: {  	_ =	shalt  }
0x83: {  	_ =	shalt  }
0x84: {  	_ =	shalt  }
0x85: {  	_ =	shalt  }
0x86: {  	_ =	shalt  }
0x87: {  	_ =	shalt  }
.Lfunc_end0:
.L_simem_size_0:
called_computation.1_lowered:
.L_overlay_start_0:
0x88: {  	s2 =	sld [smem:$0x3FD9]  }
0x89: {  	s3 =	sld [smem:$0x3FFE];
	_ =	sdelay $0x1  }
0x8a: {  	s1 =	srdreg.scid  }
0x8b: {  	s0 =	sand.u32 $0x1, s1  }
0x8c: {  	s17 =	sshll.u32 s0, $0xA;
	s2 =	sadd.s32 s3, s2  }
0x8d: {  	s2 =	sadd.s32 s2, s17  }
0x8e: {  	[smem:$0x3FBB] =	sst s2  }
0x8f: {  	_ = 	snop  }
0x90: {  	s2 =	sld [smem:$0x3FD0];
	(tm) =	ssettm $0x1  }
0x91: {  	s18 =	sld [smem:$0x3FFB];
	_ =	sdelay $0x3  }
0x92: {  	_ =	strace s18  }
0x93: {  	s3 =	sld [smem:$0x3FFC];
	_ =	sdelay $0x3  }
0x94: {  	_ =	strace s3  }
0x95: {  	s3 =	sld [smem:$0x3FFD];
	_ =	sdelay $0x3  }
0x96: {  	_ =	strace s3  }
0x97: {  	_ =	strace $0x8FFFFFFF  }
0x98: {  	s19 =	sld [smem:$0x3FDB];
	_ =	sdelay $0x1  }
0x99: {  	s4 =	simm.s32 $_scs_section_size  }
0x9a: {  	s5 =	simm.s32 $_size__tile_overlayer_lowered;
	s6 =	simm.s32 $_tile_overlayer_lowered  }
0x9b: {  	s22 =	simm.s32 $0x1BFF;
	s21 =	sshll.u32 s6, $0x1;
	s3 =	sadd.s32 s4, s19  }
0x9c: {  	s7 =	simm.s32 $0x0;
	s20 =	sshll.u32 s5, $0x1;
	s5 =	sadd.s32 s21, s3  }
0x9d: {  	[timem:s7], [sflag:s22] =	dma.local [hbm:s5], s20  }
0x9e: {  	_ =	swait.ge [sflag:s22], s20  }
0x9f: {  	s4 =	ssub.s32 $0x0, s20;
	[sflag:s22] =	ssyncset.done $0x0  }
0xa0: {  	[sflag:s22] =	ssyncadd.s32 s4;
	_ =	sdelay $0x1  }
0xa1: {  	s23 =	simm.s32 $0x1B8B  }
0xa2: {  	_ =	swait.ge [sflag:s23], $0x1  }
0xa3: {  	[sflag:s23] =	ssyncset.done $0x0  }
0xa4: {  	s25 =	simm.s32 $0x1B8E;
	s24 =	sld [smem:$0x3FFE];
	[sflag:s23] =	ssyncadd.s32 $0xFFFFFFFF  }
0xa5: {  	s26 =	simm.s32 $execute0_lowered;
	[smem:$0x3FD2] =	sst s25  }
0xa6: {  	s5 =	sshll.u32 s26, $0x1;
	_ =	strace $0x80000049;
	[dreg:$0x1] =	wrdreg $0xFFFFFFFF  }
0xa7: {  	s28 =	simm.s32 $_size_execute0_lowered;
	s3 =	sadd.s32 s3, s5;
	[dreg:$0x0] =	wrdreg $0x0  }
0xa8: {  	s5 =	sshll.u32 s28, $0x1;
	[dreg:$0x2] =	wrdreg s3  }
0xa9: {  	[dreg:$0x3] =	wrdreg s5  }
0xaa: {  	[dreg:$0x4] =	wrdreg $0xC0  }
0xab: {  	_ =	task [dreg:s7], $0x5FFFF  }
0xac: {  	[dreg:$0x1] =	wrdreg $0xFFFFFFFF  }
0xad: {  	[dreg:$0x0] =	wrdreg $0x60  }
0xae: {  	[dreg:$0x2] =	wrdreg s24  }
0xaf: {  	[dreg:$0x3] =	wrdreg s2  }
0xb0: {  	[dreg:$0x4] =	wrdreg $0x0  }
0xb1: {  	[dreg:$0x5] =	wrdreg $0x9  }
0xb2: {  	_ =	task.clear_ibuf [dreg:s7], $0x6FFFF;
	_ =	strace $0x90000049  }
0xb3: {  	s29 =	simm.s32 $0x9;
	_ =	strace $0x8000004B  }
0xb4: {  	_ =	swait.ge [sflag:s29], $0x1  }
0xb5: {  	[sflag:s29] =	ssyncadd.s32 $0xFFFFFFFF  }
0xb6: {  	_ =	strace $0x9000004B  }
0xb7: {  	_ =	sfence  }
0xb8: {  	s30 =	sld [smem:$0x0];
	_ =	sdelay $0x2  }
0xb9: {  	s31 =	sshll.u32 s1, $0xD;
	s1 =	sshrl.u32 s1, $0x2  }
0xba: {  	s3 =	sand.u32 $0x4000, s31;
	s1 =	sadd.s32 s1, s30  }
0xbb: {  	s0 =	sor.u32 s3, s0;
	s1 =	sshll.u32 s1, $0x11  }
0xbc: {  	s0 =	sor.u32 s1, s0  }
0xbd: {  	s0 =	sadd.s32 $0x8F2B, s0  }
0xbe: {  	[sflag:s0] =	ssyncadd.remote.s32 $0x1  }
0xbf: {  	_ =	sfence.sel $0xFFFF  }
0xc0: {  	[dreg:$0x0] =	wrdreg $0xFFFFFFFF;
	(pc) =	sbr.abs _section_cstart, $3  }
0xc1: {  	[dreg:$0x1] =	wrdreg $0xFFFFFFFF  }
0xc2: {  	_ =	task.clear_ibuf [dreg:s7], $0x2FFFF;
	_ =	strace $0x9FFFFFFF  }
0xc3: {  	(tm) =	ssettm $0x7FFFFFFF  }
tec
execute0_lowered:
.L_overlay_start_1:
0x0: {  	(tag) =	ssettag $0x1  }
0x1: {  	s6 =	rddreg [dreg:$0x0]  }
0x2: {  	s0 =	srdreg.scid;
	s7 =	rddreg [dreg:$0x1]  }
0x3: {  	s2 =	rddreg [dreg:$0x2];
	s8 =	sand.u32 $0x1, s0  }
0x4: {  	s0 =	stileid.u32;
	s4 =	smul.u32 $0x28000, s8  }
0x5: {  	s1 =	rddreg [dreg:$0x3];
	s3 =	simm.s32 $0x0;
	s5 =	smul.u32 $0x2800, s0  }
0x6: {  	s19 =	simm.s32 $0x197D0;
	s20 =	simm.s32 $0x1;
	s9 =	smul.u32 $0x14000, s0  }
0x7: {  	s21 =	simm.s32 $0x0;
	[smem:$0x7FF] =	sst s3;
	s11 =	smul.u32 $0x140000, s8  }
0x8: {  	s12 =	sadd.s32 $0x44400, s6;
	_ =	strace $0x8000004A;
	s16 =	smul.u32 $0x271000, s8  }
0x9: {  	s14 =	ssub.s32 $0x2, s8;
	s30 =	smul.u32 $0x27100, s0;
	p0 =	seq.s32 s8, $0x0  }
0xa: {  	s31 =	sshll.u32 s0, $0x6;
	s15 =	sshrl.u32 s14, $0x1;
	s4 =	sadd.s32 s5, s4  }
0xb: {  	s5 =	sadd.s32 $0x503400, s6;
	s11 =	sadd.s32 s9, s11;
	s14 =	ssub.s32 s14, s15  }
0xc: {  	s17 =	sadd.s32 s9, s2;
	s18 =	sshrl.u32 s9, $0x3;
	s8 =	sadd.s32 s30, s16  }
0xd: {  	s15 =	simm.s32 $0x14000;
	s16 =	simm.s32 $0x16800;
	s10 =	sshrl.u32 s4, $0x3  }
0xe: {  	s4 =	sadd.s32 $0x1C400, s6;
	s11 =	sshrl.u32 s11, $0x3;
	s13 =	sadd.s32 s10, s6  }
0xf: {  	s11 =	sadd.s32 s11, s6;
	s7 =	sadd.s32 s7, s10;
	s12 =	smov.u32 @p0 s4  }
0x10: {  	s10 =	smax.u32 s14, $0x1;
	s14 =	simm.s32 $0x2;
	s6 =	sadd.s32 $0x12400, s13  }
0x11: {  	s9 =	sadd.s32 $0x6C400, s11;
	s11 =	sadd.s32 s12, s18;
	s12 =	sor.u32 $0x1C02, s31  }
0x12: {  	s13 =	sshrl.u32 s17, $0x3;
	s17 =	simm.s32 $0x19000;
	s18 =	simm.s32 $0x7D  }
.LBB2_1:
0x13: {  	[spmem:s13], [sflag:s12] =	dma.local [hbm:s11], $0x2800  }
0x14: {  	_ =	swait.ge [sflag:s14], $0x2800  }
0x15: {  	[sflag:s14] =	ssyncset.done $0x0  }
0x16: {  	[sflag:s14] =	ssyncadd.s32 $0xFFFFD800  }
0x17: {  	[tilespmem:s15], [sflag:$0x2] =	stream.linear.gather [hbm4b:s6+s3], $0x2800, $0x38;
	[tilespmem:$0x1D650] =	vst v63  }
0x18: {  	_ =	swait.ge [sflag:s14], $0x2800  }
0x19: {  	[sflag:s14] =	ssyncset.done $0x0  }
0x1a: {  	[sflag:s14] =	ssyncadd.s32 $0xFFFFD800  }
0x1b: {  	[tilespmem:s16], [sflag:$0x2] =	stream.linear.gather [hbm4b:s7+s3], $0x2800, $0x38;
	[tilespmem:$0x1D650] =	vst v63  }
0x1c: {  	_ =	swait.ge [sflag:s14], $0x2800  }
0x1d: {  	[sflag:s14] =	ssyncset.done $0x0  }
0x1e: {  	[sflag:s14] =	ssyncadd.s32 $0xFFFFD800  }
0x1f: {  	s22 =	simm.s32 $0x0;
	[bflag:$0x0] =	sbarrier.arrive $0xFFFF  }
.LBB2_2:
0x20: {  	s23 =	smul.u32 $0x7D0, s22;
	_ =	sdelay $0x1  }
0x21: {  	s23 =	sadd.s32 s23, s8  }
0x22: {  	s23 =	sshrl.u32 s23, $0x3  }
0x23: {  	s24 =	simm.s32 $0x0;
	s23 =	sadd.s32 s5, s23  }
0x24: {  	[tilespmem:s17], [sflag:$0x2] =	stream.linear.gather [hbm4b:s23+s24], $0x7D0, $0x38;
	[tilespmem:$0x1D650] =	vst v63  }
0x25: {  	_ =	swait.ge [sflag:s14], $0x7D0  }
0x26: {  	s23 =	sshll.u32 s22, $0x7;
	[sflag:s14] =	ssyncset.done $0x0  }
0x27: {  	s31 =	sadd.s32 $0x14000, s23;
	[sflag:s14] =	ssyncadd.s32 $0xFFFFF830  }
0x28: {  	[tilespmem:s19], [sflag:$0x1] =	stream.indirect.gather [hbm4b:s4+s18], $0x80, s31, s18, $0xb8;
	[tilespmem:$0x1D650] =	vst v63  }
0x29: {  	_ =	swait.ge [sflag:s20], $0x3E80  }
0x2a: {  	[sflag:s20] =	ssyncset.done $0x0  }
0x2b: {  	s24 =	simm.s32 $0x19810;
	[sflag:s20] =	ssyncadd.s32 $0xFFFFC180  }
0x2c: {  	v4 =	vld [tilespmem:s24+$0x30]  }
0x2d: {  	v7 =	vld [tilespmem:s24+$0x10]  }
0x2e: {  	s25 =	simm.s32 $0x0;
	v5 =	vld [tilespmem:s24+$0xFFFFFFC0]  }
0x2f: {  	v1 =	vld [tilespmem:s25+$0x19000]  }
0x30: {  	v9 =	vld [tilespmem:s24+$0xFFFFFFE0]  }
0x31: {  	v0 =	vld [tilespmem:s24+$0xFFFFFFF0]  }
0x32: {  	v2 =	vld [tilespmem:s24+$0x20]  }
0x33: {  	v3 =	vld [tilespmem:s24+$0xFFFFFFD0]  }
0x34: {  	v8 =	vmul.f32 v4, v1;
	v4 =	vld [tilespmem:s24+$0x0]  }
0x35: {  	v6 =	vmul.f32 v5, v1  }
0x36: {  	s26 =	simm.s32 $0x19810;
	s25 =	simm.s32 $0x40;
	v5 =	vmul.f32 v9, v1;
	v7 =	vmul.f32 v7, v1  }
.LBB2_3:
0x37: {  	p0 =	sne.s32 s25, $0x1F00  }
0x38: {  	v3 =	vmul.f32 v3, v1;
	v2 =	vmul.f32 v2, v1;
	[tilespmem:s24+$0x30] =	vst v8;
	s26 =	sadd.s32 $0x80, s26;
	s28 =	smov.u32 s25;
	s25 =	sadd.s32 $0x40, s25  }
0x39: {  	[tilespmem:s24+$0xFFFFFFC0] =	vst v6;
	v6 =	vmul.f32 v0, v1;
	v1 =	vmul.f32 v4, v1  }
0x3a: {  	[tilespmem:s24+$0x10] =	vst v7  }
0x3b: {  	v0 =	vld [tilespmem:s26+$0xFFFFFFF0];
	[tilespmem:s24+$0xFFFFFFE0] =	vst v5  }
0x3c: {  	v5 =	vld [tilespmem:s26+$0x30];
	[tilespmem:s24+$0xFFFFFFF0] =	vst v6  }
0x3d: {  	v7 =	vld [tilespmem:s26+$0x10];
	[tilespmem:s24+$0x0] =	vst v1  }
0x3e: {  	v6 =	vld [tilespmem:s26+$0xFFFFFFC0];
	[tilespmem:s24+$0x20] =	vst v2  }
0x3f: {  	s28 =	sshra.s32 s28, $0x2;
	v9 =	vld [tilespmem:s26+$0xFFFFFFE0];
	[tilespmem:s24+$0xFFFFFFD0] =	vst v3;
	s24 =	smov.u32 s26  }
0x40: {  	v1 =	vld [tilespmem:s28+$0x19000]  }
0x41: {  	v2 =	vld [tilespmem:s26+$0x20]  }
.Ltmp0:
0x42: {  	v3 =	vld [tilespmem:s26+$0xFFFFFFD0];
	(pc) =	sbr.rel @p0 .LBB2_3-.Ltmp0, $3  }
0x43: {  	v4 =	vld [tilespmem:s26+$0x0];
	_ =	sdelay $0x1  }
0x44: {  	v6 =	vmul.f32 v6, v1;
	v8 =	vmul.f32 v5, v1  }
0x45: {  	v5 =	vmul.f32 v9, v1;
	v7 =	vmul.f32 v7, v1  }
0x46: {  	[tilespmem:s24+$0x30] =	vst v8  }
0x47: {  	[tilespmem:s24+$0xFFFFFFC0] =	vst v6  }
0x48: {  	v0 =	vmul.f32 v0, v1;
	[tilespmem:s24+$0x10] =	vst v7  }
0x49: {  	v2 =	vmul.f32 v2, v1;
	[tilespmem:s24+$0xFFFFFFE0] =	vst v5  }
0x4a: {  	v63 =	vmul.f32 v3, v1;
	[tilespmem:s24+$0xFFFFFFF0] =	vst v0  }
0x4b: {  	s22 =	sadd.s32 $0x1, s22;
	v4 =	vmul.f32 v4, v1;
	[tilespmem:s24+$0x20] =	vst v2  }
0x4c: {  	p0 =	sne.s32 s22, $0x50;
	[tilespmem:s24+$0xFFFFFFD0] =	vst v63  }
.Ltmp1:
0x4d: {  	s23 =	sadd.s32 $0x16800, s23;
	[tilespmem:s24+$0x0] =	vst v4;
	(pc) =	sbr.rel @p0 .LBB2_2-.Ltmp1, $4  }
0x4e: {  	[spmem:s2] =	stream.indirect.scatter.add.f32 [tilespmem:s19], [sflag:$0x2], $0x80, s23, s18, $0xb8;
	[tilespmem:$0x1D650] =	vst v63  }
0x4f: {  	_ =	swait.ge [sflag:s14], $0x3E80  }
0x50: {  	[sflag:s14] =	ssyncset.done $0x0  }
0x51: {  	[sflag:s14] =	ssyncadd.s32 $0xFFFFC180  }
0x52: {  	s21 =	sadd.s32 $0x1, s21  }
0x53: {  	p0 =	sne.s32 s21, s10  }
.Ltmp2:
0x54: {  	[bflag:$0x0] =	sbarrier.arrive $0xFFFF;
	(pc) =	sbr.rel @p0 .LBB2_1-.Ltmp2, $4  }
0x55: {  	[hbm:s9], [sflag:s12] =	dma.local [spmem:s13], $0x2800  }
0x56: {  	_ =	swait.ge [sflag:s14], $0x2800  }
0x57: {  	[sflag:s14] =	ssyncset.done $0x0  }
0x58: {  	[sflag:s14] =	ssyncadd.s32 $0xFFFFD800  }
0x59: {  	_ =	sfence.sel $0x180000  }
0x5a: {  	[bflag:$0x0] =	sbarrier.arrive $0xFFFF  }
0x5b: {  	p0 =	sne.s32 s0, $0x0;
	_ =	strace $0x9000004A  }
0x5c: {  	s0 =	sadd.s32 @!p0 $0x100000, s1;
	[bflag:$0x2] =	sbarrier.arrive $0xFFFF  }
0x5d: {  	[sflag:s0] =	ssyncadd.tile.s32 @!p0 $0x1;
	_ =	shalt  }
.Lfunc_end2:
_tile_overlayer_lowered:
.L_overlay_start_2:
0x5e: {  	(tag) =	ssettag $0x2  }
0x5f: {  	s0 =	rddreg [dreg:$0x0];
	s2 =	stileid.u32  }
0x60: {  	s1 =	rddreg [dreg:$0x1];
	p0 =	sne.s32 s2, $0x0  }
0x61: {  	s3 =	rddreg [dreg:$0x2];
	[bflag:$0x3] =	sbarrier.arrive $0xFFFF;
	s2 =	simm.s32 @!p0 $0x1C02  }
0x62: {  	[timem:s3], [sflag:s2] =	dma.local @!p0 [hbm:s0], s1  }
0x63: {  	s0 =	simm.s32 @!p0 $0x2  }
0x64: {  	_ =	swait.ge @!p0 [sflag:s0], s1  }
0x65: {  	s1 =	ssub.s32 @!p0 $0x0, s1;
	[sflag:s0] =	ssyncset.done @!p0 $0x0  }
0x66: {  	[sflag:s0] =	ssyncadd.s32 @!p0 s1  }
0x67: {  	[bflag:$0x3] =	sbarrier.arrive $0xFFFF  }
0x68: {  	_ =	shalt  }

// kernel: kernel.16.cloned.1.call-start
scs
__scs_entry_jumppad:
0x0: {  	(pc) =	sbr.rel $0x88, $3  }
0x1: {  	(tag) =	ssettag $0x0;
	lr =	simm.s32 $0x1  }
0x2: {  	[smem:$0x3F94] =	sst lr;
	_ =	strace $0xD0000000  }
0x3: {  	_ = 	snop  }
0x4: {  	_ = 	snop  }
0x5: {  	_ = 	snop  }
0x6: {  	_ = 	snop  }
0x7: {  	_ = 	snop  }
__scs_overlays_trampoline_lowered:
0x8: {  	[smem:$0x3FA3] =	sst s0  }
0x9: {  	[smem:$0x3FA4] =	sst s1  }
0xa: {  	[smem:$0x3FA5] =	sst s2  }
0xb: {  	[smem:$0x3FA6] =	sst s3  }
0xc: {  	[smem:$0x3FA7] =	sst s4  }
0xd: {  	[smem:$0x3FA8] =	sst s5  }
0xe: {  	[smem:$0x3FA9] =	sst s6  }
0xf: {  	[smem:$0x3FAA] =	sst s7  }
0x10: {  	[smem:$0x3FAB] =	sst s8  }
0x11: {  	[smem:$0x3FAC] =	sst s9;
	s0 =	simm.s32 @!p0 $0x0  }
0x12: {  	s1 =	sld [smem:$0x3F92];
	s0 =	simm.s32 @p0 $0x1  }
0x13: {  	[smem:$0x3FAD] =	sst s0;
	s0 =	simm.s32 @!p1 $0x0  }
0x14: {  	s2 =	sld [smem:$0x3F91];
	s0 =	simm.s32 @p1 $0x1  }
0x15: {  	[smem:$0x3FAE] =	sst s0;
	s0 =	simm.s32 @!p2 $0x0  }
0x16: {  	s3 =	sld [smem:$0x3FDB];
	s0 =	simm.s32 @p2 $0x1  }
0x17: {  	s4 =	simm.s32 $0x1BF5;
	[smem:$0x3FB0] =	sst s0  }
0x18: {  	s0 =	sld [smem:$0x3F93];
	_ =	swait.ge [sflag:s4], $0x0  }
0x19: {  	s7 =	sld [smem:$0x3F94]  }
0x1a: {  	s8 =	sadd.s32 $0xFFFFE003, lr  }
0x1b: {  	s9 =	sadd.s32 $0xFFFFFEF7, lr;
	s5 =	simm.s32 $0xFFFFFFFF;
	p2 =	slt.u32 s8, $0xFFFFF086  }
0x1c: {  	p1 =	slt.u32 s9, $0xF7A;
	s5 =	simm.s32 @!p2 $0x0  }
0x1d: {  	s5 =	simm.s32 @p1 $0x1;
	p0 =	seq.s32 s7, s2  }
0x1e: {  	s7 =	smul.u32 @!p0 $0xF7A, s2;
	p2 =	seq.s32 @!p0 s5, $0x0  }
0x1f: {  	s9 =	smul.u32 $0xF7A, s1;
	s8 =	simm.s32 @!p0 $0x1BF5;
	p2 =	por !p2, p0  }
0x20: {  	[sflag:s8] =	ssyncset.s32 @!p0 $0xFFFFF086;
	s6 =	sadd.s32 @!p0 s3, s7;
	s7 =	simm.s32 @!p0 $0x108  }
0x21: {  	s3 =	sadd.s32 s3, s9;
	s6 =	sadd.s32 @!p0 $0x88, s6;
	s7 =	simm.s32 @p2 $0x1082  }
0x22: {  	[simem:s7], [sflag:s8] =	dma.local @!p0 [hbm:s6], $0xF7A  }
0x23: {  	s9 =	sor.u32 $0xD0000000, s2;
	s6 =	simm.s32 $0x108;
	_ =	swait.ge @!p0 [sflag:s8], $0x0  }
0x24: {  	s3 =	sadd.s32 $0x88, s3;
	s6 =	simm.s32 @!p1 $0x1082;
	[sflag:s4] =	ssyncset.s32 $0xFFFFF086  }
0x25: {  	[simem:s6], [sflag:s4] =	dma.local [hbm:s3], $0xF7A  }
0x26: {  	[smem:$0x3F94] =	sst s1;
	(tag) =	ssettag s2;
	_ =	strace s9  }
0x27: {  	s1 =	sld [smem:$0x3FA4]  }
0x28: {  	s2 =	sld [smem:$0x3FA5]  }
0x29: {  	s4 =	sld [smem:$0x3FA7]  }
0x2a: {  	p0 =	seq.s32 s5, $0x0;
	s5 =	sld [smem:$0x3FA8]  }
0x2b: {  	s6 =	sld [smem:$0x3FA9]  }
0x2c: {  	s7 =	sld [smem:$0x3FAA]  }
0x2d: {  	s3 =	simm.s32 $0x108;
	s8 =	sld [smem:$0x3FAB]  }
0x2e: {  	s3 =	simm.s32 @!p0 $0x1082;
	s9 =	sld [smem:$0x3FAC]  }
0x2f: {  	lr =	sadd.s32 s0, s3;
	s0 =	sld [smem:$0x3FA3]  }
0x30: {  	s3 =	sld [smem:$0x3FA6]  }
0x31: {  	[smem:$0x3FAF] =	sst s10  }
0x32: {  	s10 =	sld [smem:$0x3FAD];
	_ =	sdelay $0x3  }
0x33: {  	p0 =	seq.s32 s10, $0x1;
	s10 =	sld [smem:$0x3FAF];
	_ =	sdelay $0x3  }
0x34: {  	[smem:$0x3FAF] =	sst s10  }
0x35: {  	s10 =	sld [smem:$0x3FAE];
	_ =	sdelay $0x3  }
0x36: {  	p1 =	seq.s32 s10, $0x1;
	s10 =	sld [smem:$0x3FAF];
	_ =	sdelay $0x3  }
0x37: {  	[smem:$0x3FAF] =	sst s10  }
0x38: {  	s10 =	sld [smem:$0x3FB0]  }
0x39: {  	_ = 	snop;
	(pc) =	sbr.ind lr, $3  }
0x3a: {  	_ = 	snop  }
0x3b: {  	_ = 	snop  }
0x3c: {  	p2 =	seq.s32 s10, $0x1;
	s10 =	sld [smem:$0x3FAF]  }
0x3d: {  	_ =	shalt  }
0x3e: {  	_ =	shalt  }
0x3f: {  	_ =	shalt  }
0x40: {  	_ =	shalt  }
0x41: {  	_ =	shalt  }
0x42: {  	_ =	shalt  }
0x43: {  	_ =	shalt  }
0x44: {  	_ =	shalt  }
0x45: {  	_ =	shalt  }
0x46: {  	_ =	shalt  }
0x47: {  	_ =	shalt  }
0x48: {  	_ =	shalt  }
0x49: {  	_ =	shalt  }
0x4a: {  	_ =	shalt  }
0x4b: {  	_ =	shalt  }
0x4c: {  	_ =	shalt  }
0x4d: {  	_ =	shalt  }
0x4e: {  	_ =	shalt  }
0x4f: {  	_ =	shalt  }
0x50: {  	_ =	shalt  }
0x51: {  	_ =	shalt  }
0x52: {  	_ =	shalt  }
0x53: {  	_ =	shalt  }
0x54: {  	_ =	shalt  }
0x55: {  	_ =	shalt  }
0x56: {  	_ =	shalt  }
0x57: {  	_ =	shalt  }
0x58: {  	_ =	shalt  }
0x59: {  	_ =	shalt  }
0x5a: {  	_ =	shalt  }
0x5b: {  	_ =	shalt  }
0x5c: {  	_ =	shalt  }
0x5d: {  	_ =	shalt  }
0x5e: {  	_ =	shalt  }
0x5f: {  	_ =	shalt  }
0x60: {  	_ =	shalt  }
0x61: {  	_ =	shalt  }
0x62: {  	_ =	shalt  }
0x63: {  	_ =	shalt  }
0x64: {  	_ =	shalt  }
0x65: {  	_ =	shalt  }
0x66: {  	_ =	shalt  }
0x67: {  	_ =	shalt  }
0x68: {  	_ =	shalt  }
0x69: {  	_ =	shalt  }
0x6a: {  	_ =	shalt  }
0x6b: {  	_ =	shalt  }
0x6c: {  	_ =	shalt  }
0x6d: {  	_ =	shalt  }
0x6e: {  	_ =	shalt  }
0x6f: {  	_ =	shalt  }
0x70: {  	_ =	shalt  }
0x71: {  	_ =	shalt  }
0x72: {  	_ =	shalt  }
0x73: {  	_ =	shalt  }
0x74: {  	_ =	shalt  }
0x75: {  	_ =	shalt  }
0x76: {  	_ =	shalt  }
0x77: {  	_ =	shalt  }
0x78: {  	_ =	shalt  }
0x79: {  	_ =	shalt  }
0x7a: {  	_ =	shalt  }
0x7b: {  	_ =	shalt  }
0x7c: {  	_ =	shalt  }
0x7d: {  	_ =	shalt  }
0x7e: {  	_ =	shalt  }
0x7f: {  	_ =	shalt  }
0x80: {  	_ =	shalt  }
0x81: {  	_ =	shalt  }
0x82: {  	_ =	shalt  }
0x83: {  	_ =	shalt  }
0x84: {  	_ =	shalt  }
0x85: {  	_ =	shalt  }
0x86: {  	_ =	shalt  }
0x87: {  	_ =	shalt  }
.Lfunc_end0:
.L_simem_size_0:
called_computation.2_lowered:
.L_overlay_start_0:
0x88: {  	s2 =	sld [smem:$0x3FD9]  }
0x89: {  	s3 =	sld [smem:$0x3FFE];
	_ =	sdelay $0x1  }
0x8a: {  	s1 =	srdreg.scid  }
0x8b: {  	s0 =	sand.u32 $0x1, s1  }
0x8c: {  	s17 =	sshll.u32 s0, $0xA;
	s2 =	sadd.s32 s3, s2  }
0x8d: {  	s2 =	sadd.s32 s2, s17  }
0x8e: {  	[smem:$0x3FBB] =	sst s2  }
0x8f: {  	_ = 	snop  }
0x90: {  	s2 =	sld [smem:$0x3FD0];
	(tm) =	ssettm $0x1  }
0x91: {  	s18 =	sld [smem:$0x3FFB];
	_ =	sdelay $0x3  }
0x92: {  	_ =	strace s18  }
0x93: {  	s3 =	sld [smem:$0x3FFC];
	_ =	sdelay $0x3  }
0x94: {  	_ =	strace s3  }
0x95: {  	s3 =	sld [smem:$0x3FFD];
	_ =	sdelay $0x3  }
0x96: {  	_ =	strace s3  }
0x97: {  	_ =	strace $0x8FFFFFFF  }
0x98: {  	s19 =	sld [smem:$0x3FDB];
	_ =	sdelay $0x1  }
0x99: {  	s4 =	simm.s32 $_scs_section_size  }
0x9a: {  	s5 =	simm.s32 $_size__tile_overlayer_lowered;
	s6 =	simm.s32 $_tile_overlayer_lowered  }
0x9b: {  	s22 =	simm.s32 $0x1BFF;
	s21 =	sshll.u32 s6, $0x1;
	s3 =	sadd.s32 s4, s19  }
0x9c: {  	s7 =	simm.s32 $0x0;
	s20 =	sshll.u32 s5, $0x1;
	s5 =	sadd.s32 s21, s3  }
0x9d: {  	[timem:s7], [sflag:s22] =	dma.local [hbm:s5], s20  }
0x9e: {  	_ =	swait.ge [sflag:s22], s20  }
0x9f: {  	s4 =	ssub.s32 $0x0, s20;
	[sflag:s22] =	ssyncset.done $0x0  }
0xa0: {  	[sflag:s22] =	ssyncadd.s32 s4;
	_ =	sdelay $0x1  }
0xa1: {  	s23 =	simm.s32 $0x1B8B  }
0xa2: {  	_ =	swait.ge [sflag:s23], $0x1  }
0xa3: {  	[sflag:s23] =	ssyncset.done $0x0  }
0xa4: {  	s25 =	simm.s32 $0x1B8E;
	s24 =	sld [smem:$0x3FFE];
	[sflag:s23] =	ssyncadd.s32 $0xFFFFFFFF  }
0xa5: {  	s26 =	simm.s32 $execute0_lowered;
	[smem:$0x3FD2] =	sst s25  }
0xa6: {  	s5 =	sshll.u32 s26, $0x1;
	_ =	strace $0x8000004C;
	[dreg:$0x1] =	wrdreg $0xFFFFFFFF  }
0xa7: {  	s28 =	simm.s32 $_size_execute0_lowered;
	s3 =	sadd.s32 s3, s5;
	[dreg:$0x0] =	wrdreg $0x0  }
0xa8: {  	s5 =	sshll.u32 s28, $0x1;
	[dreg:$0x2] =	wrdreg s3  }
0xa9: {  	[dreg:$0x3] =	wrdreg s5  }
0xaa: {  	[dreg:$0x4] =	wrdreg $0xC0  }
0xab: {  	_ =	task [dreg:s7], $0x5FFFF  }
0xac: {  	[dreg:$0x1] =	wrdreg $0xFFFFFFFF  }
0xad: {  	[dreg:$0x0] =	wrdreg $0x60  }
0xae: {  	[dreg:$0x2] =	wrdreg s24  }
0xaf: {  	[dreg:$0x3] =	wrdreg s2  }
0xb0: {  	[dreg:$0x4] =	wrdreg $0x0  }
0xb1: {  	[dreg:$0x5] =	wrdreg $0x9  }
0xb2: {  	_ =	task.clear_ibuf [dreg:s7], $0x6FFFF;
	_ =	strace $0x9000004C  }
0xb3: {  	s29 =	simm.s32 $0x9;
	_ =	strace $0x8000004E  }
0xb4: {  	_ =	swait.ge [sflag:s29], $0x1  }
0xb5: {  	[sflag:s29] =	ssyncadd.s32 $0xFFFFFFFF  }
0xb6: {  	_ =	strace $0x9000004E  }
0xb7: {  	_ =	sfence  }
0xb8: {  	s30 =	sld [smem:$0x0];
	_ =	sdelay $0x2  }
0xb9: {  	s31 =	sshll.u32 s1, $0xD;
	s1 =	sshrl.u32 s1, $0x2  }
0xba: {  	s3 =	sand.u32 $0x4000, s31;
	s1 =	sadd.s32 s1, s30  }
0xbb: {  	s0 =	sor.u32 s3, s0;
	s1 =	sshll.u32 s1, $0x11  }
0xbc: {  	s0 =	sor.u32 s1, s0  }
0xbd: {  	s0 =	sadd.s32 $0x8F2B, s0  }
0xbe: {  	[sflag:s0] =	ssyncadd.remote.s32 $0x1  }
0xbf: {  	_ =	sfence.sel $0xFFFF  }
0xc0: {  	[dreg:$0x0] =	wrdreg $0xFFFFFFFF;
	(pc) =	sbr.abs _section_cstart, $3  }
0xc1: {  	[dreg:$0x1] =	wrdreg $0xFFFFFFFF  }
0xc2: {  	_ =	task.clear_ibuf [dreg:s7], $0x2FFFF;
	_ =	strace $0x9FFFFFFF  }
0xc3: {  	(tm) =	ssettm $0x7FFFFFFF  }
tec
execute0_lowered:
.L_overlay_start_1:
0x0: {  	(tag) =	ssettag $0x1  }
0x1: {  	s6 =	rddreg [dreg:$0x0]  }
0x2: {  	s0 =	srdreg.scid;
	s7 =	rddreg [dreg:$0x1]  }
0x3: {  	s2 =	rddreg [dreg:$0x2];
	s8 =	sand.u32 $0x1, s0  }
0x4: {  	s0 =	stileid.u32;
	s4 =	smul.u32 $0x28000, s8  }
0x5: {  	s1 =	rddreg [dreg:$0x3];
	s3 =	simm.s32 $0x0;
	s5 =	smul.u32 $0x2800, s0  }
0x6: {  	s19 =	simm.s32 $0x197D0;
	s20 =	simm.s32 $0x1;
	s9 =	smul.u32 $0x14000, s0  }
0x7: {  	s21 =	simm.s32 $0x0;
	[smem:$0x7FF] =	sst s3;
	s11 =	smul.u32 $0x140000, s8  }
0x8: {  	s12 =	sadd.s32 $0x44400, s6;
	_ =	strace $0x8000004D;
	s16 =	smul.u32 $0x271000, s8  }
0x9: {  	s14 =	ssub.s32 $0x2, s8;
	s30 =	smul.u32 $0x27100, s0;
	p0 =	seq.s32 s8, $0x0  }
0xa: {  	s31 =	sshll.u32 s0, $0x6;
	s15 =	sshrl.u32 s14, $0x1;
	s4 =	sadd.s32 s5, s4  }
0xb: {  	s5 =	sadd.s32 $0x503400, s6;
	s11 =	sadd.s32 s9, s11;
	s14 =	ssub.s32 s14, s15  }
0xc: {  	s17 =	sadd.s32 s9, s2;
	s18 =	sshrl.u32 s9, $0x3;
	s8 =	sadd.s32 s30, s16  }
0xd: {  	s15 =	simm.s32 $0x14000;
	s16 =	simm.s32 $0x16800;
	s10 =	sshrl.u32 s4, $0x3  }
0xe: {  	s4 =	sadd.s32 $0x1C400, s6;
	s11 =	sshrl.u32 s11, $0x3;
	s13 =	sadd.s32 s10, s6  }
0xf: {  	s11 =	sadd.s32 s11, s6;
	s7 =	sadd.s32 s7, s10;
	s12 =	smov.u32 @p0 s4  }
0x10: {  	s10 =	smax.u32 s14, $0x1;
	s14 =	simm.s32 $0x2;
	s6 =	sadd.s32 $0x12400, s13  }
0x11: {  	s9 =	sadd.s32 $0x6C400, s11;
	s11 =	sadd.s32 s12, s18;
	s12 =	sor.u32 $0x1C02, s31  }
0x12: {  	s13 =	sshrl.u32 s17, $0x3;
	s17 =	simm.s32 $0x19000;
	s18 =	simm.s32 $0x7D  }
.LBB2_1:
0x13: {  	[spmem:s13], [sflag:s12] =	dma.local [hbm:s11], $0x2800  }
0x14: {  	_ =	swait.ge [sflag:s14], $0x2800  }
0x15: {  	[sflag:s14] =	ssyncset.done $0x0  }
0x16: {  	[sflag:s14] =	ssyncadd.s32 $0xFFFFD800  }
0x17: {  	[tilespmem:s15], [sflag:$0x2] =	stream.linear.gather [hbm4b:s6+s3], $0x2800, $0x38;
	[tilespmem:$0x1D650] =	vst v63  }
0x18: {  	_ =	swait.ge [sflag:s14], $0x2800  }
0x19: {  	[sflag:s14] =	ssyncset.done $0x0  }
0x1a: {  	[sflag:s14] =	ssyncadd.s32 $0xFFFFD800  }
0x1b: {  	[tilespmem:s16], [sflag:$0x2] =	stream.linear.gather [hbm4b:s7+s3], $0x2800, $0x38;
	[tilespmem:$0x1D650] =	vst v63  }
0x1c: {  	_ =	swait.ge [sflag:s14], $0x2800  }
0x1d: {  	[sflag:s14] =	ssyncset.done $0x0  }
0x1e: {  	[sflag:s14] =	ssyncadd.s32 $0xFFFFD800  }
0x1f: {  	s22 =	simm.s32 $0x0;
	[bflag:$0x0] =	sbarrier.arrive $0xFFFF  }
.LBB2_2:
0x20: {  	s23 =	smul.u32 $0x7D0, s22;
	_ =	sdelay $0x1  }
0x21: {  	s23 =	sadd.s32 s23, s8  }
0x22: {  	s23 =	sshrl.u32 s23, $0x3  }
0x23: {  	s24 =	simm.s32 $0x0;
	s23 =	sadd.s32 s5, s23  }
0x24: {  	[tilespmem:s17], [sflag:$0x2] =	stream.linear.gather [hbm4b:s23+s24], $0x7D0, $0x38;
	[tilespmem:$0x1D650] =	vst v63  }
0x25: {  	_ =	swait.ge [sflag:s14], $0x7D0  }
0x26: {  	s23 =	sshll.u32 s22, $0x7;
	[sflag:s14] =	ssyncset.done $0x0  }
0x27: {  	s31 =	sadd.s32 $0x14000, s23;
	[sflag:s14] =	ssyncadd.s32 $0xFFFFF830  }
0x28: {  	[tilespmem:s19], [sflag:$0x1] =	stream.indirect.gather [hbm4b:s4+s18], $0x80, s31, s18, $0xb8;
	[tilespmem:$0x1D650] =	vst v63  }
0x29: {  	_ =	swait.ge [sflag:s20], $0x3E80  }
0x2a: {  	[sflag:s20] =	ssyncset.done $0x0  }
0x2b: {  	s24 =	simm.s32 $0x19810;
	[sflag:s20] =	ssyncadd.s32 $0xFFFFC180  }
0x2c: {  	v4 =	vld [tilespmem:s24+$0x30]  }
0x2d: {  	v7 =	vld [tilespmem:s24+$0x10]  }
0x2e: {  	s25 =	simm.s32 $0x0;
	v5 =	vld [tilespmem:s24+$0xFFFFFFC0]  }
0x2f: {  	v1 =	vld [tilespmem:s25+$0x19000]  }
0x30: {  	v9 =	vld [tilespmem:s24+$0xFFFFFFE0]  }
0x31: {  	v0 =	vld [tilespmem:s24+$0xFFFFFFF0]  }
0x32: {  	v2 =	vld [tilespmem:s24+$0x20]  }
0x33: {  	v3 =	vld [tilespmem:s24+$0xFFFFFFD0]  }
0x34: {  	v8 =	vmul.f32 v4, v1;
	v4 =	vld [tilespmem:s24+$0x0]  }
0x35: {  	v6 =	vmul.f32 v5, v1  }
0x36: {  	s26 =	simm.s32 $0x19810;
	s25 =	simm.s32 $0x40;
	v5 =	vmul.f32 v9, v1;
	v7 =	vmul.f32 v7, v1  }
.LBB2_3:
0x37: {  	p0 =	sne.s32 s25, $0x1F00  }
0x38: {  	v3 =	vmul.f32 v3, v1;
	v2 =	vmul.f32 v2, v1;
	[tilespmem:s24+$0x30] =	vst v8;
	s26 =	sadd.s32 $0x80, s26;
	s28 =	smov.u32 s25;
	s25 =	sadd.s32 $0x40, s25  }
0x39: {  	[tilespmem:s24+$0xFFFFFFC0] =	vst v6;
	v6 =	vmul.f32 v0, v1;
	v1 =	vmul.f32 v4, v1  }
0x3a: {  	[tilespmem:s24+$0x10] =	vst v7  }
0x3b: {  	v0 =	vld [tilespmem:s26+$0xFFFFFFF0];
	[tilespmem:s24+$0xFFFFFFE0] =	vst v5  }
0x3c: {  	v5 =	vld [tilespmem:s26+$0x30];
	[tilespmem:s24+$0xFFFFFFF0] =	vst v6  }
0x3d: {  	v7 =	vld [tilespmem:s26+$0x10];
	[tilespmem:s24+$0x0] =	vst v1  }
0x3e: {  	v6 =	vld [tilespmem:s26+$0xFFFFFFC0];
	[tilespmem:s24+$0x20] =	vst v2  }
0x3f: {  	s28 =	sshra.s32 s28, $0x2;
	v9 =	vld [tilespmem:s26+$0xFFFFFFE0];
	[tilespmem:s24+$0xFFFFFFD0] =	vst v3;
	s24 =	smov.u32 s26  }
0x40: {  	v1 =	vld [tilespmem:s28+$0x19000]  }
0x41: {  	v2 =	vld [tilespmem:s26+$0x20]  }
.Ltmp0:
0x42: {  	v3 =	vld [tilespmem:s26+$0xFFFFFFD0];
	(pc) =	sbr.rel @p0 .LBB2_3-.Ltmp0, $3  }
0x43: {  	v4 =	vld [tilespmem:s26+$0x0];
	_ =	sdelay $0x1  }
0x44: {  	v6 =	vmul.f32 v6, v1;
	v8 =	vmul.f32 v5, v1  }
0x45: {  	v5 =	vmul.f32 v9, v1;
	v7 =	vmul.f32 v7, v1  }
0x46: {  	[tilespmem:s24+$0x30] =	vst v8  }
0x47: {  	[tilespmem:s24+$0xFFFFFFC0] =	vst v6  }
0x48: {  	v0 =	vmul.f32 v0, v1;
	[tilespmem:s24+$0x10] =	vst v7  }
0x49: {  	v2 =	vmul.f32 v2, v1;
	[tilespmem:s24+$0xFFFFFFE0] =	vst v5  }
0x4a: {  	v63 =	vmul.f32 v3, v1;
	[tilespmem:s24+$0xFFFFFFF0] =	vst v0  }
0x4b: {  	s22 =	sadd.s32 $0x1, s22;
	v4 =	vmul.f32 v4, v1;
	[tilespmem:s24+$0x20] =	vst v2  }
0x4c: {  	p0 =	sne.s32 s22, $0x50;
	[tilespmem:s24+$0xFFFFFFD0] =	vst v63  }
.Ltmp1:
0x4d: {  	s23 =	sadd.s32 $0x16800, s23;
	[tilespmem:s24+$0x0] =	vst v4;
	(pc) =	sbr.rel @p0 .LBB2_2-.Ltmp1, $4  }
0x4e: {  	[spmem:s2] =	stream.indirect.scatter.add.f32 [tilespmem:s19], [sflag:$0x2], $0x80, s23, s18, $0xb8;
	[tilespmem:$0x1D650] =	vst v63  }
0x4f: {  	_ =	swait.ge [sflag:s14], $0x3E80  }
0x50: {  	[sflag:s14] =	ssyncset.done $0x0  }
0x51: {  	[sflag:s14] =	ssyncadd.s32 $0xFFFFC180  }
0x52: {  	s21 =	sadd.s32 $0x1, s21  }
0x53: {  	p0 =	sne.s32 s21, s10  }
.Ltmp2:
0x54: {  	[bflag:$0x0] =	sbarrier.arrive $0xFFFF;
	(pc) =	sbr.rel @p0 .LBB2_1-.Ltmp2, $4  }
0x55: {  	[hbm:s9], [sflag:s12] =	dma.local [spmem:s13], $0x2800  }
0x56: {  	_ =	swait.ge [sflag:s14], $0x2800  }
0x57: {  	[sflag:s14] =	ssyncset.done $0x0  }
0x58: {  	[sflag:s14] =	ssyncadd.s32 $0xFFFFD800  }
0x59: {  	_ =	sfence.sel $0x180000  }
0x5a: {  	[bflag:$0x0] =	sbarrier.arrive $0xFFFF  }
0x5b: {  	p0 =	sne.s32 s0, $0x0;
	_ =	strace $0x9000004D  }
0x5c: {  	s0 =	sadd.s32 @!p0 $0x100000, s1;
	[bflag:$0x2] =	sbarrier.arrive $0xFFFF  }
0x5d: {  	[sflag:s0] =	ssyncadd.tile.s32 @!p0 $0x1;
	_ =	shalt  }
.Lfunc_end2:
_tile_overlayer_lowered:
.L_overlay_start_2:
0x5e: {  	(tag) =	ssettag $0x2  }
0x5f: {  	s0 =	rddreg [dreg:$0x0];
	s2 =	stileid.u32  }
0x60: {  	s1 =	rddreg [dreg:$0x1];
	p0 =	sne.s32 s2, $0x0  }
0x61: {  	s3 =	rddreg [dreg:$0x2];
	[bflag:$0x3] =	sbarrier.arrive $0xFFFF;
	s2 =	simm.s32 @!p0 $0x1C02  }
0x62: {  	[timem:s3], [sflag:s2] =	dma.local @!p0 [hbm:s0], s1  }
0x63: {  	s0 =	simm.s32 @!p0 $0x2  }
0x64: {  	_ =	swait.ge @!p0 [sflag:s0], s1  }
0x65: {  	s1 =	ssub.s32 @!p0 $0x0, s1;
	[sflag:s0] =	ssyncset.done @!p0 $0x0  }
0x66: {  	[sflag:s0] =	ssyncadd.s32 @!p0 s1  }
0x67: {  	[bflag:$0x3] =	sbarrier.arrive $0xFFFF  }
0x68: {  	_ =	shalt  }

// kernel: kernel.19.cloned.1.call-start
scs
__scs_entry_jumppad:
0x0: {  	(pc) =	sbr.rel $0x88, $3  }
0x1: {  	(tag) =	ssettag $0x0;
	lr =	simm.s32 $0x1  }
0x2: {  	[smem:$0x3F94] =	sst lr;
	_ =	strace $0xD0000000  }
0x3: {  	_ = 	snop  }
0x4: {  	_ = 	snop  }
0x5: {  	_ = 	snop  }
0x6: {  	_ = 	snop  }
0x7: {  	_ = 	snop  }
__scs_overlays_trampoline_lowered:
0x8: {  	[smem:$0x3FA3] =	sst s0  }
0x9: {  	[smem:$0x3FA4] =	sst s1  }
0xa: {  	[smem:$0x3FA5] =	sst s2  }
0xb: {  	[smem:$0x3FA6] =	sst s3  }
0xc: {  	[smem:$0x3FA7] =	sst s4  }
0xd: {  	[smem:$0x3FA8] =	sst s5  }
0xe: {  	[smem:$0x3FA9] =	sst s6  }
0xf: {  	[smem:$0x3FAA] =	sst s7  }
0x10: {  	[smem:$0x3FAB] =	sst s8  }
0x11: {  	[smem:$0x3FAC] =	sst s9;
	s0 =	simm.s32 @!p0 $0x0  }
0x12: {  	s1 =	sld [smem:$0x3F92];
	s0 =	simm.s32 @p0 $0x1  }
0x13: {  	[smem:$0x3FAD] =	sst s0;
	s0 =	simm.s32 @!p1 $0x0  }
0x14: {  	s2 =	sld [smem:$0x3F91];
	s0 =	simm.s32 @p1 $0x1  }
0x15: {  	[smem:$0x3FAE] =	sst s0;
	s0 =	simm.s32 @!p2 $0x0  }
0x16: {  	s3 =	sld [smem:$0x3FDB];
	s0 =	simm.s32 @p2 $0x1  }
0x17: {  	s4 =	simm.s32 $0x1BF5;
	[smem:$0x3FB0] =	sst s0  }
0x18: {  	s0 =	sld [smem:$0x3F93];
	_ =	swait.ge [sflag:s4], $0x0  }
0x19: {  	s7 =	sld [smem:$0x3F94]  }
0x1a: {  	s8 =	sadd.s32 $0xFFFFE003, lr  }
0x1b: {  	s9 =	sadd.s32 $0xFFFFFEF7, lr;
	s5 =	simm.s32 $0xFFFFFFFF;
	p2 =	slt.u32 s8, $0xFFFFF086  }
0x1c: {  	p1 =	slt.u32 s9, $0xF7A;
	s5 =	simm.s32 @!p2 $0x0  }
0x1d: {  	s5 =	simm.s32 @p1 $0x1;
	p0 =	seq.s32 s7, s2  }
0x1e: {  	s7 =	smul.u32 @!p0 $0xF7A, s2;
	p2 =	seq.s32 @!p0 s5, $0x0  }
0x1f: {  	s9 =	smul.u32 $0xF7A, s1;
	s8 =	simm.s32 @!p0 $0x1BF5;
	p2 =	por !p2, p0  }
0x20: {  	[sflag:s8] =	ssyncset.s32 @!p0 $0xFFFFF086;
	s6 =	sadd.s32 @!p0 s3, s7;
	s7 =	simm.s32 @!p0 $0x108  }
0x21: {  	s3 =	sadd.s32 s3, s9;
	s6 =	sadd.s32 @!p0 $0x88, s6;
	s7 =	simm.s32 @p2 $0x1082  }
0x22: {  	[simem:s7], [sflag:s8] =	dma.local @!p0 [hbm:s6], $0xF7A  }
0x23: {  	s9 =	sor.u32 $0xD0000000, s2;
	s6 =	simm.s32 $0x108;
	_ =	swait.ge @!p0 [sflag:s8], $0x0  }
0x24: {  	s3 =	sadd.s32 $0x88, s3;
	s6 =	simm.s32 @!p1 $0x1082;
	[sflag:s4] =	ssyncset.s32 $0xFFFFF086  }
0x25: {  	[simem:s6], [sflag:s4] =	dma.local [hbm:s3], $0xF7A  }
0x26: {  	[smem:$0x3F94] =	sst s1;
	(tag) =	ssettag s2;
	_ =	strace s9  }
0x27: {  	s1 =	sld [smem:$0x3FA4]  }
0x28: {  	s2 =	sld [smem:$0x3FA5]  }
0x29: {  	s4 =	sld [smem:$0x3FA7]  }
0x2a: {  	p0 =	seq.s32 s5, $0x0;
	s5 =	sld [smem:$0x3FA8]  }
0x2b: {  	s6 =	sld [smem:$0x3FA9]  }
0x2c: {  	s7 =	sld [smem:$0x3FAA]  }
0x2d: {  	s3 =	simm.s32 $0x108;
	s8 =	sld [smem:$0x3FAB]  }
0x2e: {  	s3 =	simm.s32 @!p0 $0x1082;
	s9 =	sld [smem:$0x3FAC]  }
0x2f: {  	lr =	sadd.s32 s0, s3;
	s0 =	sld [smem:$0x3FA3]  }
0x30: {  	s3 =	sld [smem:$0x3FA6]  }
0x31: {  	[smem:$0x3FAF] =	sst s10  }
0x32: {  	s10 =	sld [smem:$0x3FAD];
	_ =	sdelay $0x3  }
0x33: {  	p0 =	seq.s32 s10, $0x1;
	s10 =	sld [smem:$0x3FAF];
	_ =	sdelay $0x3  }
0x34: {  	[smem:$0x3FAF] =	sst s10  }
0x35: {  	s10 =	sld [smem:$0x3FAE];
	_ =	sdelay $0x3  }
0x36: {  	p1 =	seq.s32 s10, $0x1;
	s10 =	sld [smem:$0x3FAF];
	_ =	sdelay $0x3  }
0x37: {  	[smem:$0x3FAF] =	sst s10  }
0x38: {  	s10 =	sld [smem:$0x3FB0]  }
0x39: {  	_ = 	snop;
	(pc) =	sbr.ind lr, $3  }
0x3a: {  	_ = 	snop  }
0x3b: {  	_ = 	snop  }
0x3c: {  	p2 =	seq.s32 s10, $0x1;
	s10 =	sld [smem:$0x3FAF]  }
0x3d: {  	_ =	shalt  }
0x3e: {  	_ =	shalt  }
0x3f: {  	_ =	shalt  }
0x40: {  	_ =	shalt  }
0x41: {  	_ =	shalt  }
0x42: {  	_ =	shalt  }
0x43: {  	_ =	shalt  }
0x44: {  	_ =	shalt  }
0x45: {  	_ =	shalt  }
0x46: {  	_ =	shalt  }
0x47: {  	_ =	shalt  }
0x48: {  	_ =	shalt  }
0x49: {  	_ =	shalt  }
0x4a: {  	_ =	shalt  }
0x4b: {  	_ =	shalt  }
0x4c: {  	_ =	shalt  }
0x4d: {  	_ =	shalt  }
0x4e: {  	_ =	shalt  }
0x4f: {  	_ =	shalt  }
0x50: {  	_ =	shalt  }
0x51: {  	_ =	shalt  }
0x52: {  	_ =	shalt  }
0x53: {  	_ =	shalt  }
0x54: {  	_ =	shalt  }
0x55: {  	_ =	shalt  }
0x56: {  	_ =	shalt  }
0x57: {  	_ =	shalt  }
0x58: {  	_ =	shalt  }
0x59: {  	_ =	shalt  }
0x5a: {  	_ =	shalt  }
0x5b: {  	_ =	shalt  }
0x5c: {  	_ =	shalt  }
0x5d: {  	_ =	shalt  }
0x5e: {  	_ =	shalt  }
0x5f: {  	_ =	shalt  }
0x60: {  	_ =	shalt  }
0x61: {  	_ =	shalt  }
0x62: {  	_ =	shalt  }
0x63: {  	_ =	shalt  }
0x64: {  	_ =	shalt  }
0x65: {  	_ =	shalt  }
0x66: {  	_ =	shalt  }
0x67: {  	_ =	shalt  }
0x68: {  	_ =	shalt  }
0x69: {  	_ =	shalt  }
0x6a: {  	_ =	shalt  }
0x6b: {  	_ =	shalt  }
0x6c: {  	_ =	shalt  }
0x6d: {  	_ =	shalt  }
0x6e: {  	_ =	shalt  }
0x6f: {  	_ =	shalt  }
0x70: {  	_ =	shalt  }
0x71: {  	_ =	shalt  }
0x72: {  	_ =	shalt  }
0x73: {  	_ =	shalt  }
0x74: {  	_ =	shalt  }
0x75: {  	_ =	shalt  }
0x76: {  	_ =	shalt  }
0x77: {  	_ =	shalt  }
0x78: {  	_ =	shalt  }
0x79: {  	_ =	shalt  }
0x7a: {  	_ =	shalt  }
0x7b: {  	_ =	shalt  }
0x7c: {  	_ =	shalt  }
0x7d: {  	_ =	shalt  }
0x7e: {  	_ =	shalt  }
0x7f: {  	_ =	shalt  }
0x80: {  	_ =	shalt  }
0x81: {  	_ =	shalt  }
0x82: {  	_ =	shalt  }
0x83: {  	_ =	shalt  }
0x84: {  	_ =	shalt  }
0x85: {  	_ =	shalt  }
0x86: {  	_ =	shalt  }
0x87: {  	_ =	shalt  }
.Lfunc_end0:
.L_simem_size_0:
called_computation.3_lowered:
.L_overlay_start_0:
0x88: {  	s2 =	sld [smem:$0x3FD9]  }
0x89: {  	s3 =	sld [smem:$0x3FFE];
	_ =	sdelay $0x1  }
0x8a: {  	s1 =	srdreg.scid  }
0x8b: {  	s0 =	sand.u32 $0x1, s1  }
0x8c: {  	s17 =	sshll.u32 s0, $0xA;
	s2 =	sadd.s32 s3, s2  }
0x8d: {  	s2 =	sadd.s32 s2, s17  }
0x8e: {  	[smem:$0x3FBB] =	sst s2  }
0x8f: {  	_ = 	snop  }
0x90: {  	s2 =	sld [smem:$0x3FD0];
	(tm) =	ssettm $0x1  }
0x91: {  	s18 =	sld [smem:$0x3FFB];
	_ =	sdelay $0x3  }
0x92: {  	_ =	strace s18  }
0x93: {  	s3 =	sld [smem:$0x3FFC];
	_ =	sdelay $0x3  }
0x94: {  	_ =	strace s3  }
0x95: {  	s3 =	sld [smem:$0x3FFD];
	_ =	sdelay $0x3  }
0x96: {  	_ =	strace s3  }
0x97: {  	_ =	strace $0x8FFFFFFF  }
0x98: {  	s19 =	sld [smem:$0x3FDB];
	_ =	sdelay $0x1  }
0x99: {  	s4 =	simm.s32 $_scs_section_size  }
0x9a: {  	s5 =	simm.s32 $_size__tile_overlayer_lowered;
	s6 =	simm.s32 $_tile_overlayer_lowered  }
0x9b: {  	s22 =	simm.s32 $0x1BFF;
	s21 =	sshll.u32 s6, $0x1;
	s3 =	sadd.s32 s4, s19  }
0x9c: {  	s7 =	simm.s32 $0x0;
	s20 =	sshll.u32 s5, $0x1;
	s5 =	sadd.s32 s21, s3  }
0x9d: {  	[timem:s7], [sflag:s22] =	dma.local [hbm:s5], s20  }
0x9e: {  	_ =	swait.ge [sflag:s22], s20  }
0x9f: {  	s4 =	ssub.s32 $0x0, s20;
	[sflag:s22] =	ssyncset.done $0x0  }
0xa0: {  	[sflag:s22] =	ssyncadd.s32 s4;
	_ =	sdelay $0x1  }
0xa1: {  	s23 =	simm.s32 $0x1B8B  }
0xa2: {  	_ =	swait.ge [sflag:s23], $0x1  }
0xa3: {  	[sflag:s23] =	ssyncset.done $0x0  }
0xa4: {  	s25 =	simm.s32 $0x1B8E;
	s24 =	sld [smem:$0x3FFE];
	[sflag:s23] =	ssyncadd.s32 $0xFFFFFFFF  }
0xa5: {  	s26 =	simm.s32 $execute0_lowered;
	[smem:$0x3FD2] =	sst s25  }
0xa6: {  	s5 =	sshll.u32 s26, $0x1;
	_ =	strace $0x8000004F;
	[dreg:$0x1] =	wrdreg $0xFFFFFFFF  }
0xa7: {  	s28 =	simm.s32 $_size_execute0_lowered;
	s3 =	sadd.s32 s3, s5;
	[dreg:$0x0] =	wrdreg $0x0  }
0xa8: {  	s5 =	sshll.u32 s28, $0x1;
	[dreg:$0x2] =	wrdreg s3  }
0xa9: {  	[dreg:$0x3] =	wrdreg s5  }
0xaa: {  	[dreg:$0x4] =	wrdreg $0xC0  }
0xab: {  	_ =	task [dreg:s7], $0x5FFFF  }
0xac: {  	[dreg:$0x1] =	wrdreg $0xFFFFFFFF  }
0xad: {  	[dreg:$0x0] =	wrdreg $0x60  }
0xae: {  	[dreg:$0x2] =	wrdreg s24  }
0xaf: {  	[dreg:$0x3] =	wrdreg s2  }
0xb0: {  	[dreg:$0x4] =	wrdreg $0x0  }
0xb1: {  	[dreg:$0x5] =	wrdreg $0x9  }
0xb2: {  	_ =	task.clear_ibuf [dreg:s7], $0x6FFFF;
	_ =	strace $0x9000004F  }
0xb3: {  	s29 =	simm.s32 $0x9;
	_ =	strace $0x80000051  }
0xb4: {  	_ =	swait.ge [sflag:s29], $0x1  }
0xb5: {  	[sflag:s29] =	ssyncadd.s32 $0xFFFFFFFF  }
0xb6: {  	_ =	strace $0x90000051  }
0xb7: {  	_ =	sfence  }
0xb8: {  	s30 =	sld [smem:$0x0];
	_ =	sdelay $0x2  }
0xb9: {  	s31 =	sshll.u32 s1, $0xD;
	s1 =	sshrl.u32 s1, $0x2  }
0xba: {  	s3 =	sand.u32 $0x4000, s31;
	s1 =	sadd.s32 s1, s30  }
0xbb: {  	s0 =	sor.u32 s3, s0;
	s1 =	sshll.u32 s1, $0x11  }
0xbc: {  	s0 =	sor.u32 s1, s0  }
0xbd: {  	s0 =	sadd.s32 $0x8F2B, s0  }
0xbe: {  	[sflag:s0] =	ssyncadd.remote.s32 $0x1  }
0xbf: {  	_ =	sfence.sel $0xFFFF  }
0xc0: {  	[dreg:$0x0] =	wrdreg $0xFFFFFFFF;
	(pc) =	sbr.abs _section_cstart, $3  }
0xc1: {  	[dreg:$0x1] =	wrdreg $0xFFFFFFFF  }
0xc2: {  	_ =	task.clear_ibuf [dreg:s7], $0x2FFFF;
	_ =	strace $0x9FFFFFFF  }
0xc3: {  	(tm) =	ssettm $0x7FFFFFFF  }
tec
execute0_lowered:
.L_overlay_start_1:
0x0: {  	(tag) =	ssettag $0x1  }
0x1: {  	s6 =	rddreg [dreg:$0x0]  }
0x2: {  	s0 =	srdreg.scid;
	s7 =	rddreg [dreg:$0x1]  }
0x3: {  	s2 =	rddreg [dreg:$0x2];
	s8 =	sand.u32 $0x1, s0  }
0x4: {  	s0 =	stileid.u32;
	s4 =	smul.u32 $0x28000, s8  }
0x5: {  	s1 =	rddreg [dreg:$0x3];
	s3 =	simm.s32 $0x0;
	s5 =	smul.u32 $0x2800, s0  }
0x6: {  	s19 =	simm.s32 $0x197D0;
	s20 =	simm.s32 $0x1;
	s9 =	smul.u32 $0x14000, s0  }
0x7: {  	s21 =	simm.s32 $0x0;
	[smem:$0x7FF] =	sst s3;
	s11 =	smul.u32 $0x140000, s8  }
0x8: {  	s12 =	sadd.s32 $0x44400, s6;
	_ =	strace $0x80000050;
	s16 =	smul.u32 $0x271000, s8  }
0x9: {  	s14 =	ssub.s32 $0x2, s8;
	s30 =	smul.u32 $0x27100, s0;
	p0 =	seq.s32 s8, $0x0  }
0xa: {  	s31 =	sshll.u32 s0, $0x6;
	s15 =	sshrl.u32 s14, $0x1;
	s4 =	sadd.s32 s5, s4  }
0xb: {  	s5 =	sadd.s32 $0x503400, s6;
	s11 =	sadd.s32 s9, s11;
	s14 =	ssub.s32 s14, s15  }
0xc: {  	s17 =	sadd.s32 s9, s2;
	s18 =	sshrl.u32 s9, $0x3;
	s8 =	sadd.s32 s30, s16  }
0xd: {  	s15 =	simm.s32 $0x14000;
	s16 =	simm.s32 $0x16800;
	s10 =	sshrl.u32 s4, $0x3  }
0xe: {  	s4 =	sadd.s32 $0x1C400, s6;
	s11 =	sshrl.u32 s11, $0x3;
	s13 =	sadd.s32 s10, s6  }
0xf: {  	s11 =	sadd.s32 s11, s6;
	s7 =	sadd.s32 s7, s10;
	s12 =	smov.u32 @p0 s4  }
0x10: {  	s10 =	smax.u32 s14, $0x1;
	s14 =	simm.s32 $0x2;
	s6 =	sadd.s32 $0x12400, s13  }
0x11: {  	s9 =	sadd.s32 $0x6C400, s11;
	s11 =	sadd.s32 s12, s18;
	s12 =	sor.u32 $0x1C02, s31  }
0x12: {  	s13 =	sshrl.u32 s17, $0x3;
	s17 =	simm.s32 $0x19000;
	s18 =	simm.s32 $0x7D  }
.LBB2_1:
0x13: {  	[spmem:s13], [sflag:s12] =	dma.local [hbm:s11], $0x2800  }
0x14: {  	_ =	swait.ge [sflag:s14], $0x2800  }
0x15: {  	[sflag:s14] =	ssyncset.done $0x0  }
0x16: {  	[sflag:s14] =	ssyncadd.s32 $0xFFFFD800  }
0x17: {  	[tilespmem:s15], [sflag:$0x2] =	stream.linear.gather [hbm4b:s6+s3], $0x2800, $0x38;
	[tilespmem:$0x1D650] =	vst v63  }
0x18: {  	_ =	swait.ge [sflag:s14], $0x2800  }
0x19: {  	[sflag:s14] =	ssyncset.done $0x0  }
0x1a: {  	[sflag:s14] =	ssyncadd.s32 $0xFFFFD800  }
0x1b: {  	[tilespmem:s16], [sflag:$0x2] =	stream.linear.gather [hbm4b:s7+s3], $0x2800, $0x38;
	[tilespmem:$0x1D650] =	vst v63  }
0x1c: {  	_ =	swait.ge [sflag:s14], $0x2800  }
0x1d: {  	[sflag:s14] =	ssyncset.done $0x0  }
0x1e: {  	[sflag:s14] =	ssyncadd.s32 $0xFFFFD800  }
0x1f: {  	s22 =	simm.s32 $0x0;
	[bflag:$0x0] =	sbarrier.arrive $0xFFFF  }
.LBB2_2:
0x20: {  	s23 =	smul.u32 $0x7D0, s22;
	_ =	sdelay $0x1  }
0x21: {  	s23 =	sadd.s32 s23, s8  }
0x22: {  	s23 =	sshrl.u32 s23, $0x3  }
0x23: {  	s24 =	simm.s32 $0x0;
	s23 =	sadd.s32 s5, s23  }
0x24: {  	[tilespmem:s17], [sflag:$0x2] =	stream.linear.gather [hbm4b:s23+s24], $0x7D0, $0x38;
	[tilespmem:$0x1D650] =	vst v63  }
0x25: {  	_ =	swait.ge [sflag:s14], $0x7D0  }
0x26: {  	s23 =	sshll.u32 s22, $0x7;
	[sflag:s14] =	ssyncset.done $0x0  }
0x27: {  	s31 =	sadd.s32 $0x14000, s23;
	[sflag:s14] =	ssyncadd.s32 $0xFFFFF830  }
0x28: {  	[tilespmem:s19], [sflag:$0x1] =	stream.indirect.gather [hbm4b:s4+s18], $0x80, s31, s18, $0xb8;
	[tilespmem:$0x1D650] =	vst v63  }
0x29: {  	_ =	swait.ge [sflag:s20], $0x3E80  }
0x2a: {  	[sflag:s20] =	ssyncset.done $0x0  }
0x2b: {  	s24 =	simm.s32 $0x19810;
	[sflag:s20] =	ssyncadd.s32 $0xFFFFC180  }
0x2c: {  	v4 =	vld [tilespmem:s24+$0x30]  }
0x2d: {  	v7 =	vld [tilespmem:s24+$0x10]  }
0x2e: {  	s25 =	simm.s32 $0x0;
	v5 =	vld [tilespmem:s24+$0xFFFFFFC0]  }
0x2f: {  	v1 =	vld [tilespmem:s25+$0x19000]  }
0x30: {  	v9 =	vld [tilespmem:s24+$0xFFFFFFE0]  }
0x31: {  	v0 =	vld [tilespmem:s24+$0xFFFFFFF0]  }
0x32: {  	v2 =	vld [tilespmem:s24+$0x20]  }
0x33: {  	v3 =	vld [tilespmem:s24+$0xFFFFFFD0]  }
0x34: {  	v8 =	vmul.f32 v4, v1;
	v4 =	vld [tilespmem:s24+$0x0]  }
0x35: {  	v6 =	vmul.f32 v5, v1  }
0x36: {  	s26 =	simm.s32 $0x19810;
	s25 =	simm.s32 $0x40;
	v5 =	vmul.f32 v9, v1;
	v7 =	vmul.f32 v7, v1  }
.LBB2_3:
0x37: {  	p0 =	sne.s32 s25, $0x1F00  }
0x38: {  	v3 =	vmul.f32 v3, v1;
	v2 =	vmul.f32 v2, v1;
	[tilespmem:s24+$0x30] =	vst v8;
	s26 =	sadd.s32 $0x80, s26;
	s28 =	smov.u32 s25;
	s25 =	sadd.s32 $0x40, s25  }
0x39: {  	[tilespmem:s24+$0xFFFFFFC0] =	vst v6;
	v6 =	vmul.f32 v0, v1;
	v1 =	vmul.f32 v4, v1  }
0x3a: {  	[tilespmem:s24+$0x10] =	vst v7  }
0x3b: {  	v0 =	vld [tilespmem:s26+$0xFFFFFFF0];
	[tilespmem:s24+$0xFFFFFFE0] =	vst v5  }
0x3c: {  	v5 =	vld [tilespmem:s26+$0x30];
	[tilespmem:s24+$0xFFFFFFF0] =	vst v6  }
0x3d: {  	v7 =	vld [tilespmem:s26+$0x10];
	[tilespmem:s24+$0x0] =	vst v1  }
0x3e: {  	v6 =	vld [tilespmem:s26+$0xFFFFFFC0];
	[tilespmem:s24+$0x20] =	vst v2  }
0x3f: {  	s28 =	sshra.s32 s28, $0x2;
	v9 =	vld [tilespmem:s26+$0xFFFFFFE0];
	[tilespmem:s24+$0xFFFFFFD0] =	vst v3;
	s24 =	smov.u32 s26  }
0x40: {  	v1 =	vld [tilespmem:s28+$0x19000]  }
0x41: {  	v2 =	vld [tilespmem:s26+$0x20]  }
.Ltmp0:
0x42: {  	v3 =	vld [tilespmem:s26+$0xFFFFFFD0];
	(pc) =	sbr.rel @p0 .LBB2_3-.Ltmp0, $3  }
0x43: {  	v4 =	vld [tilespmem:s26+$0x0];
	_ =	sdelay $0x1  }
0x44: {  	v6 =	vmul.f32 v6, v1;
	v8 =	vmul.f32 v5, v1  }
0x45: {  	v5 =	vmul.f32 v9, v1;
	v7 =	vmul.f32 v7, v1  }
0x46: {  	[tilespmem:s24+$0x30] =	vst v8  }
0x47: {  	[tilespmem:s24+$0xFFFFFFC0] =	vst v6  }
0x48: {  	v0 =	vmul.f32 v0, v1;
	[tilespmem:s24+$0x10] =	vst v7  }
0x49: {  	v2 =	vmul.f32 v2, v1;
	[tilespmem:s24+$0xFFFFFFE0] =	vst v5  }
0x4a: {  	v63 =	vmul.f32 v3, v1;
	[tilespmem:s24+$0xFFFFFFF0] =	vst v0  }
0x4b: {  	s22 =	sadd.s32 $0x1, s22;
	v4 =	vmul.f32 v4, v1;
	[tilespmem:s24+$0x20] =	vst v2  }
0x4c: {  	p0 =	sne.s32 s22, $0x50;
	[tilespmem:s24+$0xFFFFFFD0] =	vst v63  }
.Ltmp1:
0x4d: {  	s23 =	sadd.s32 $0x16800, s23;
	[tilespmem:s24+$0x0] =	vst v4;
	(pc) =	sbr.rel @p0 .LBB2_2-.Ltmp1, $4  }
0x4e: {  	[spmem:s2] =	stream.indirect.scatter.add.f32 [tilespmem:s19], [sflag:$0x2], $0x80, s23, s18, $0xb8;
	[tilespmem:$0x1D650] =	vst v63  }
0x4f: {  	_ =	swait.ge [sflag:s14], $0x3E80  }
0x50: {  	[sflag:s14] =	ssyncset.done $0x0  }
0x51: {  	[sflag:s14] =	ssyncadd.s32 $0xFFFFC180  }
0x52: {  	s21 =	sadd.s32 $0x1, s21  }
0x53: {  	p0 =	sne.s32 s21, s10  }
.Ltmp2:
0x54: {  	[bflag:$0x0] =	sbarrier.arrive $0xFFFF;
	(pc) =	sbr.rel @p0 .LBB2_1-.Ltmp2, $4  }
0x55: {  	[hbm:s9], [sflag:s12] =	dma.local [spmem:s13], $0x2800  }
0x56: {  	_ =	swait.ge [sflag:s14], $0x2800  }
0x57: {  	[sflag:s14] =	ssyncset.done $0x0  }
0x58: {  	[sflag:s14] =	ssyncadd.s32 $0xFFFFD800  }
0x59: {  	_ =	sfence.sel $0x180000  }
0x5a: {  	[bflag:$0x0] =	sbarrier.arrive $0xFFFF  }
0x5b: {  	p0 =	sne.s32 s0, $0x0;
	_ =	strace $0x90000050  }
0x5c: {  	s0 =	sadd.s32 @!p0 $0x100000, s1;
	[bflag:$0x2] =	sbarrier.arrive $0xFFFF  }
0x5d: {  	[sflag:s0] =	ssyncadd.tile.s32 @!p0 $0x1;
	_ =	shalt  }
.Lfunc_end2:
_tile_overlayer_lowered:
.L_overlay_start_2:
0x5e: {  	(tag) =	ssettag $0x2  }
0x5f: {  	s0 =	rddreg [dreg:$0x0];
	s2 =	stileid.u32  }
0x60: {  	s1 =	rddreg [dreg:$0x1];
	p0 =	sne.s32 s2, $0x0  }
0x61: {  	s3 =	rddreg [dreg:$0x2];
	[bflag:$0x3] =	sbarrier.arrive $0xFFFF;
	s2 =	simm.s32 @!p0 $0x1C02  }
0x62: {  	[timem:s3], [sflag:s2] =	dma.local @!p0 [hbm:s0], s1  }
0x63: {  	s0 =	simm.s32 @!p0 $0x2  }
0x64: {  	_ =	swait.ge @!p0 [sflag:s0], s1  }
0x65: {  	s1 =	ssub.s32 @!p0 $0x0, s1;
	[sflag:s0] =	ssyncset.done @!p0 $0x0  }
0x66: {  	[sflag:s0] =	ssyncadd.s32 @!p0 s1  }
0x67: {  	[bflag:$0x3] =	sbarrier.arrive $0xFFFF  }
0x68: {  	_ =	shalt  }

</sc_bundles>
